<compile_context>
chip_gen: v7x
topology: tpu7x:2x2x1
jax: 0.10.2.dev20260603
libtpu: 0.0.44.dev20260713+nightly
codegen_flags: <defaults>
</compile_context>

<pallas_src>
import jax
import jax.numpy as jnp
from jax import lax
from jax.experimental import pallas as pl
from jax.experimental.pallas import tpu as pltpu
from jax.experimental.pallas import tpu_sc as plsc

_N = 10000
_NPAD = 10240
_D = 128
_NSUB = 16
_SLAB = 25
_WCHUNK = 80
_ROWS_PER_TILE = _NPAD // _NSUB
_NFULL = _ROWS_PER_TILE // _WCHUNK

_mesh = plsc.VectorSubcoreMesh(core_axis_name="c", subcore_axis_name="s")


def _make_sc_seg(total_edges, chunk, count, slab_base=0):
    half = total_edges // 2
    per_w = half // _NSUB
    nslabs = per_w // (_SLAB * chunk)
    assert nslabs * _SLAB * chunk == per_w and _SLAB % 2 == 1

    out_type = [jax.ShapeDtypeStruct((2 * _NPAD, _D), jnp.float32)]
    if count:
        out_type.append(jax.ShapeDtypeStruct((2 * _NPAD,), jnp.float32))

    scratch = [
        pltpu.VMEM_SHARED((_NPAD, _D), jnp.float32),
        pltpu.VMEM((_SLAB, chunk), jnp.int32),
        pltpu.VMEM((_SLAB, chunk), jnp.int32),
        pltpu.VMEM((chunk, _D), jnp.float32),
        pltpu.VMEM((chunk, _D), jnp.float32),
        pltpu.SemaphoreType.DMA,
        pltpu.SemaphoreType.DMA,
    ]
    if count:
        scratch.insert(1, pltpu.VMEM_SHARED((_NPAD,), jnp.float32))
        scratch.insert(6, pltpu.VMEM((_ROWS_PER_TILE,), jnp.float32))
        scratch.insert(7, pltpu.VMEM((chunk,), jnp.float32))

    assert chunk == _WCHUNK

    def body(*refs):
        if count:
            (x_hbm, src_hbm, dst_hbm, s_out, c_out,
             acc, cnt, src_t, dst_t, buf_a, buf_b,
             cstage, ones_v, sem_a, sem_b) = refs
        else:
            (x_hbm, src_hbm, dst_hbm, s_out,
             acc, src_t, dst_t, buf_a, buf_b,
             sem_a, sem_b) = refs
        stage_v = buf_a

        cid = lax.axis_index("c")
        sid = lax.axis_index("s")
        wid = cid * _NSUB + sid
        zero16 = jnp.zeros((16,), jnp.float32)

        def _zrows(i, carry):
            for j in range(_D // 16):
                stage_v[i, pl.ds(j * 16, 16)] = zero16
            return carry
        lax.fori_loop(0, _WCHUNK, _zrows, 0)

        row0 = sid * _ROWS_PER_TILE

        def _zacc(j, carry):
            r = pl.multiple_of(row0 + j * _WCHUNK, 8)
            pltpu.sync_copy(stage_v, acc.at[pl.ds(r, _WCHUNK)])
            return carry
        lax.fori_loop(0, _NFULL, _zacc, 0)

        if count:
            def _zc(i, carry):
                cstage[pl.ds(i * 16, 16)] = zero16
                return carry
            lax.fori_loop(0, _ROWS_PER_TILE // 16, _zc, 0)
            pltpu.sync_copy(cstage, cnt.at[pl.ds(row0, _ROWS_PER_TILE)])
            one16 = jnp.ones((16,), jnp.float32)
            for i in range(chunk // 16):
                ones_v[pl.ds(i * 16, 16)] = one16

        plsc.subcore_barrier()

        def _scat(buf, j):
            pltpu.sync_copy(buf, acc.at[dst_t.at[j]], add=True)
            if count:
                pltpu.sync_copy(ones_v, cnt.at[dst_t.at[j]], add=True)

        @pl.loop(0, nslabs)
        def _slab(o):
            w3 = slab_base + wid * nslabs + o
            pltpu.sync_copy(src_hbm.at[w3], src_t)
            pltpu.sync_copy(dst_hbm.at[w3], dst_t)

            pltpu.async_copy(x_hbm.at[src_t.at[0]], buf_a, sem_a)

            @pl.loop(0, (_SLAB - 1) // 2)
            def _pair(p):
                j0 = p * 2
                pltpu.async_copy(x_hbm.at[src_t.at[j0 + 1]], buf_b, sem_b)
                pltpu.make_async_copy(
                    x_hbm.at[src_t.at[j0]], buf_a, sem_a).wait()
                _scat(buf_a, j0)
                pltpu.async_copy(x_hbm.at[src_t.at[j0 + 2]], buf_a, sem_a)
                pltpu.make_async_copy(
                    x_hbm.at[src_t.at[j0 + 1]], buf_b, sem_b).wait()
                _scat(buf_b, j0 + 1)

            pltpu.make_async_copy(
                x_hbm.at[src_t.at[_SLAB - 1]], buf_a, sem_a).wait()
            _scat(buf_a, _SLAB - 1)

        plsc.subcore_barrier()

        obase = cid * _NPAD + row0

        def _wout(j, carry):
            ra = pl.multiple_of(row0 + j * _WCHUNK, 8)
            ro = pl.multiple_of(obase + j * _WCHUNK, 8)
            pltpu.sync_copy(acc.at[pl.ds(ra, _WCHUNK)], stage_v)
            pltpu.sync_copy(stage_v, s_out.at[pl.ds(ro, _WCHUNK)])
            return carry
        lax.fori_loop(0, _NFULL, _wout, 0)
        if count:
            pltpu.sync_copy(cnt.at[pl.ds(row0, _ROWS_PER_TILE)], cstage)
            pltpu.sync_copy(
                cstage,
                c_out.at[pl.ds(pl.multiple_of(obase, 8), _ROWS_PER_TILE)])

    return pl.kernel(body, mesh=_mesh, out_type=tuple(out_type),
                     scratch_types=tuple(scratch))


_CHUNK_A = 80
_CHUNK_B = 80
_seg_both = _make_sc_seg(2 * 320000, _CHUNK_A, count=True)
_seg_half = _make_sc_seg(320000, _CHUNK_B, count=False)


def _tile_idx(a, chunk):
    return a.astype(jnp.int32).reshape(-1, _SLAB, chunk)


_R = 1000


def _tc_layer1(s1, c1, x, wl_t, wr_t, b):
    def body(s_ref, c_ref, x_ref, wl_ref, wr_ref, b_ref, o_ref):
        cnt = jnp.maximum(c_ref[...], 1.0)
        mean = s_ref[...] / cnt
        acc = jnp.dot(mean, wl_ref[...], preferred_element_type=jnp.float32)
        acc += jnp.dot(x_ref[...], wr_ref[...],
                       preferred_element_type=jnp.float32)
        o_ref[...] = jnp.maximum(acc + b_ref[...], 0.0)

    return pl.pallas_call(
        body,
        grid=(_N // _R,),
        in_specs=[
            pl.BlockSpec((_R, _D), lambda i: (i, 0)),
            pl.BlockSpec((_R, 1), lambda i: (i, 0)),
            pl.BlockSpec((_R, _D), lambda i: (i, 0)),
            pl.BlockSpec((_D, _D), lambda i: (0, 0)),
            pl.BlockSpec((_D, _D), lambda i: (0, 0)),
            pl.BlockSpec((1, _D), lambda i: (0, 0)),
        ],
        out_specs=pl.BlockSpec((_R, _D), lambda i: (i, 0)),
        out_shape=jax.ShapeDtypeStruct((_N, _D), jnp.float32),
    )(s1, c1, x, wl_t, wr_t, b)


def _tc_final(s2, c2, x_sotu, s3a, s3b,
              w2l_t, w2r_t, b2, w3l_t, w3r_t, b3, wlin_t, blin):
    def body(s2_ref, c_ref, x_ref, a_ref, p_ref,
             w2l_ref, w2r_ref, b2_ref, w3l_ref, w3r_ref, b3_ref,
             wlin_ref, blin_ref, o_ref):
        cnt = jnp.maximum(c_ref[...], 1.0)
        mean2 = s2_ref[...] / cnt
        sotu = jnp.dot(mean2, w2l_ref[...], preferred_element_type=jnp.float32)
        sotu += jnp.dot(x_ref[...], w2r_ref[...],
                        preferred_element_type=jnp.float32)
        sotu = jnp.maximum(sotu + b2_ref[...], 0.0)
        mean3 = (a_ref[...] + p_ref[...]) / cnt
        h = jnp.dot(mean3, w3l_ref[...], preferred_element_type=jnp.float32)
        h += jnp.dot(sotu, w3r_ref[...], preferred_element_type=jnp.float32)
        h = jnp.maximum(h + b3_ref[...], 0.0)
        o_ref[...] = jnp.dot(h, wlin_ref[...],
                             preferred_element_type=jnp.float32) + blin_ref[...]

    row = lambda i: (i, 0)
    fixed = lambda i: (0, 0)
    return pl.pallas_call(
        body,
        grid=(_N // _R,),
        in_specs=[
            pl.BlockSpec((_R, _D), row),
            pl.BlockSpec((_R, 1), row),
            pl.BlockSpec((_R, _D), row),
            pl.BlockSpec((_R, _D), row),
            pl.BlockSpec((_R, _D), row),
            pl.BlockSpec((_D, _D), fixed),
            pl.BlockSpec((_D, _D), fixed),
            pl.BlockSpec((1, _D), fixed),
            pl.BlockSpec((_D, _D), fixed),
            pl.BlockSpec((_D, _D), fixed),
            pl.BlockSpec((1, _D), fixed),
            pl.BlockSpec((_D, _D), fixed),
            pl.BlockSpec((1, _D), fixed),
        ],
        out_specs=pl.BlockSpec((_R, _D), row),
        out_shape=jax.ShapeDtypeStruct((_N, _D), jnp.float32),
    )(s2, c2, x_sotu, s3a, s3b,
      w2l_t, w2r_t, b2, w3l_t, w3r_t, b3, wlin_t, blin)


def kernel(x_taxon, x_sotu, ei_taxon_taxon, ei_taxon_sotu,
           W1l, b1, W1r, W2l, b2, W2r, W3l, b3, W3r, Wlin, blin):
    src_a = _tile_idx(jnp.concatenate([ei_taxon_taxon[0], ei_taxon_sotu[0]]),
                      _CHUNK_A)
    dst_a = _tile_idx(jnp.concatenate([ei_taxon_taxon[1], ei_taxon_sotu[1]]),
                      _CHUNK_A)
    S, C = _seg_both(x_taxon, src_a, dst_a)

    c_tt = C[:_N].reshape(_N, 1)
    c_ts = C[_NPAD:_NPAD + _N].reshape(_N, 1)

    taxon_x = _tc_layer1(S[:_N], c_tt, x_taxon,
                         W1l.T, W1r.T, b1.reshape(1, _D))

    (S3,) = _seg_half(taxon_x, _tile_idx(ei_taxon_sotu[0], _CHUNK_B),
                      _tile_idx(ei_taxon_sotu[1], _CHUNK_B))

    return _tc_final(S[_NPAD:_NPAD + _N], c_ts, x_sotu,
                     S3[:_N], S3[_NPAD:_NPAD + _N],
                     W2l.T, W2r.T, b2.reshape(1, _D),
                     W3l.T, W3r.T, b3.reshape(1, _D),
                     Wlin.T, blin.reshape(1, _D))

# --- scband reference (transcript-rebuilt; emitter-appended) ---
"""Pipeline reference for scband-sotuencoder-79937931313417 (READ-ONLY COPY).

The authoritative reference and input builder live on the scoring server;
editing this copy changes nothing except your own understanding.
"""

import jax, jax.numpy as jnp
import numpy as np

N_TAXON = 10000
N_SOTU = 10000
E = 320000
D = 128
H = 128
O = 128


def _sage_conv(x_src, x_dst, edge_index, Wl, bl, Wr):
    # PyG SAGEConv with mean aggregation: out = lin_l(mean_j x_src[j]) + lin_r(x_dst)
    src = edge_index[0]
    dst = edge_index[1]
    msg = jnp.take(x_src, src, axis=0)                       # gather  [E, d]
    summed = jax.ops.segment_sum(msg, dst, num_segments=x_dst.shape[0])
    cnt = jax.ops.segment_sum(jnp.ones((msg.shape[0],), msg.dtype), dst,
                              num_segments=x_dst.shape[0])
    mean = summed / jnp.clip(cnt, 1.0)[:, None]
    return mean @ Wl.T + bl + x_dst @ Wr.T


def setup_inputs(seed: int = 0) -> dict:
    key = jax.random.key(seed)
    ks = jax.random.split(key, 16)
    s_in = 1.0 / np.sqrt(D)
    s_h = 1.0 / np.sqrt(H)
    return {
        "x_taxon": jax.random.normal(ks[0], (N_TAXON, D), jnp.float32),
        "x_sotu": jax.random.normal(ks[1], (N_SOTU, D), jnp.float32),
        "ei_taxon_taxon": jax.random.randint(ks[2], (2, E), 0, N_TAXON),
        "ei_taxon_sotu": jax.random.randint(ks[3], (2, E), 0, N_SOTU),
        # conv1: (taxon -> taxon), in=D, out=H
        "W1l": jax.random.normal(ks[4], (H, D), jnp.float32) * s_in,
        "b1": jnp.zeros((H,), jnp.float32),
        "W1r": jax.random.normal(ks[5], (H, D), jnp.float32) * s_in,
        # conv2: (taxon -> sotu), in=(D, D), out=H
        "W2l": jax.random.normal(ks[6], (H, D), jnp.float32) * s_in,
        "b2": jnp.zeros((H,), jnp.float32),
        "W2r": jax.random.normal(ks[7], (H, D), jnp.float32) * s_in,
        # conv3: (taxon_hidden -> sotu_hidden), in=(H, H), out=H
        "W3l": jax.random.normal(ks[8], (H, H), jnp.float32) * s_h,
        "b3": jnp.zeros((H,), jnp.float32),
        "W3r": jax.random.normal(ks[9], (H, H), jnp.float32) * s_h,
        # final linear
        "Wlin": jax.random.normal(ks[10], (O, H), jnp.float32) * s_h,
        "blin": jnp.zeros((O,), jnp.float32),
    }


def reference(x_taxon, x_sotu, ei_taxon_taxon, ei_taxon_sotu,
              W1l, b1, W1r, W2l, b2, W2r, W3l, b3, W3r, Wlin, blin):
    taxon_x = jax.nn.relu(_sage_conv(x_taxon, x_taxon, ei_taxon_taxon, W1l, b1, W1r))
    sotu_x = jax.nn.relu(_sage_conv(x_taxon, x_sotu, ei_taxon_sotu, W2l, b2, W2r))
    sotu_x = jax.nn.relu(_sage_conv(taxon_x, sotu_x, ei_taxon_sotu, W3l, b3, W3r))
    return sotu_x @ Wlin.T + blin

if __name__ == "__main__":
    import jax
    _d = setup_inputs()
    print(jax.jit(kernel)(*tuple(_d.values())))

</pallas_src>

<mosaic_0001>
#map = affine_map<(d0, d1) -> (0, 0)>
#map1 = affine_map<(d0, d1) -> (0, 0, 0)>
#map2 = affine_map<(d0, d1) -> (0)>
module attributes {stable_mosaic.version = 14 : i64} {
  func.func @body(%arg0: i32, %arg1: i32, %arg2: memref<10000x128xf32, #tpu.memory_space<hbm>>, %arg3: memref<320x25x80xi32, #tpu.memory_space<hbm>>, %arg4: memref<320x25x80xi32, #tpu.memory_space<hbm>>, %arg5: memref<20480x128xf32, #tpu.memory_space<hbm>>, %arg6: memref<20480xf32, #tpu.memory_space<hbm>>, %arg7: memref<10240x128xf32, #tpu.memory_space<vmem_shared>>, %arg8: memref<10240xf32, #tpu.memory_space<vmem_shared>>, %arg9: memref<25x80xi32, #tpu.memory_space<vmem>>, %arg10: memref<25x80xi32, #tpu.memory_space<vmem>>, %arg11: memref<80x128xf32, #tpu.memory_space<vmem>>, %arg12: memref<80x128xf32, #tpu.memory_space<vmem>>, %arg13: memref<640xf32, #tpu.memory_space<vmem>>, %arg14: memref<80xf32, #tpu.memory_space<vmem>>, %arg15: memref<!tpu.dma_semaphore, #tpu.memory_space<semaphore_mem>>, %arg16: memref<!tpu.dma_semaphore, #tpu.memory_space<semaphore_mem>>) attributes {dimension_semantics = [#tpu.dimension_semantics<core_parallel>, #tpu.dimension_semantics<subcore_parallel>], iteration_bounds = array<i64: 2, 16>, scalar_prefetch = 0 : i64, scratch_operands = 10 : i64, tpu.core_type = #tpu.core_type<sc_vector_subcore>, window_params = [{transform_indices = #map}, {transform_indices = #map1}, {transform_indices = #map1}, {transform_indices = #map}, {transform_indices = #map2}]} {
    %mul3A = arith.constant 16 : i32
    %mul3A_0 = arith.muli %arg0, %mul3A : i32
    %add3A = arith.addi %mul3A_0, %arg1 : i32
    %broadcast_in_dim3A = arith.constant 0.000000e+00 : f32
    %broadcast_in_dim3A_1 = vector.broadcast %broadcast_in_dim3A : f32 to vector<16xf32>
    %scan3A = arith.constant 0 : i32
    %scan3A_2 = arith.constant 0 : i32
    %scan3A_3 = arith.constant 80 : i32
    %scan3A_4 = arith.addi %scan3A_2, %scan3A_3 : i32
    %scan3A_5 = arith.constant 1 : i32
    scf.for %scan3A_57 = %scan3A_2 to %scan3A_4 step %scan3A_5  : i32 {
      %swap3A_58 = arith.index_cast %scan3A_57 : i32 to index
      %swap3A_59 = arith.constant 0 : index
      %swap3A_60 = tpu.vector_load %arg11[%swap3A_58, %swap3A_59] {strides = array<i32>} : memref<80x128xf32, #tpu.memory_space<vmem>>, vector<1x16xf32>,
      %swap3A_61 = vector.shape_cast %swap3A_60 : vector<1x16xf32> to vector<16xf32>
      %swap3A_62 = vector.shape_cast %broadcast_in_dim3A_1 : vector<16xf32> to vector<1x16xf32>
      tpu.vector_store %arg11[%swap3A_58, %swap3A_59], %swap3A_62 {strides = array<i32>} : memref<80x128xf32, #tpu.memory_space<vmem>>, vector<1x16xf32>,
      %swap3A_63 = arith.index_cast %scan3A_57 : i32 to index
      %swap3A_64 = arith.constant 16 : index
      %swap3A_65 = tpu.vector_load %arg11[%swap3A_63, %swap3A_64] {strides = array<i32>} : memref<80x128xf32, #tpu.memory_space<vmem>>, vector<1x16xf32>,
      %swap3A_66 = vector.shape_cast %swap3A_65 : vector<1x16xf32> to vector<16xf32>
      %swap3A_67 = vector.shape_cast %broadcast_in_dim3A_1 : vector<16xf32> to vector<1x16xf32>
      tpu.vector_store %arg11[%swap3A_63, %swap3A_64], %swap3A_67 {strides = array<i32>} : memref<80x128xf32, #tpu.memory_space<vmem>>, vector<1x16xf32>,
      %swap3A_68 = arith.index_cast %scan3A_57 : i32 to index
      %swap3A_69 = arith.constant 32 : index
      %swap3A_70 = tpu.vector_load %arg11[%swap3A_68, %swap3A_69] {strides = array<i32>} : memref<80x128xf32, #tpu.memory_space<vmem>>, vector<1x16xf32>,
      %swap3A_71 = vector.shape_cast %swap3A_70 : vector<1x16xf32> to vector<16xf32>
      %swap3A_72 = vector.shape_cast %broadcast_in_dim3A_1 : vector<16xf32> to vector<1x16xf32>
      tpu.vector_store %arg11[%swap3A_68, %swap3A_69], %swap3A_72 {strides = array<i32>} : memref<80x128xf32, #tpu.memory_space<vmem>>, vector<1x16xf32>,
      %swap3A_73 = arith.index_cast %scan3A_57 : i32 to index
      %swap3A_74 = arith.constant 48 : index
      %swap3A_75 = tpu.vector_load %arg11[%swap3A_73, %swap3A_74] {strides = array<i32>} : memref<80x128xf32, #tpu.memory_space<vmem>>, vector<1x16xf32>,
      %swap3A_76 = vector.shape_cast %swap3A_75 : vector<1x16xf32> to vector<16xf32>
      %swap3A_77 = vector.shape_cast %broadcast_in_dim3A_1 : vector<16xf32> to vector<1x16xf32>
      tpu.vector_store %arg11[%swap3A_73, %swap3A_74], %swap3A_77 {strides = array<i32>} : memref<80x128xf32, #tpu.memory_space<vmem>>, vector<1x16xf32>,
      %swap3A_78 = arith.index_cast %scan3A_57 : i32 to index
      %swap3A_79 = arith.constant 64 : index
      %swap3A_80 = tpu.vector_load %arg11[%swap3A_78, %swap3A_79] {strides = array<i32>} : memref<80x128xf32, #tpu.memory_space<vmem>>, vector<1x16xf32>,
      %swap3A_81 = vector.shape_cast %swap3A_80 : vector<1x16xf32> to vector<16xf32>
      %swap3A_82 = vector.shape_cast %broadcast_in_dim3A_1 : vector<16xf32> to vector<1x16xf32>
      tpu.vector_store %arg11[%swap3A_78, %swap3A_79], %swap3A_82 {strides = array<i32>} : memref<80x128xf32, #tpu.memory_space<vmem>>, vector<1x16xf32>,
      %swap3A_83 = arith.index_cast %scan3A_57 : i32 to index
      %swap3A_84 = arith.constant 80 : index
      %swap3A_85 = tpu.vector_load %arg11[%swap3A_83, %swap3A_84] {strides = array<i32>} : memref<80x128xf32, #tpu.memory_space<vmem>>, vector<1x16xf32>,
      %swap3A_86 = vector.shape_cast %swap3A_85 : vector<1x16xf32> to vector<16xf32>
      %swap3A_87 = vector.shape_cast %broadcast_in_dim3A_1 : vector<16xf32> to vector<1x16xf32>
      tpu.vector_store %arg11[%swap3A_83, %swap3A_84], %swap3A_87 {strides = array<i32>} : memref<80x128xf32, #tpu.memory_space<vmem>>, vector<1x16xf32>,
      %swap3A_88 = arith.index_cast %scan3A_57 : i32 to index
      %swap3A_89 = arith.constant 96 : index
      %swap3A_90 = tpu.vector_load %arg11[%swap3A_88, %swap3A_89] {strides = array<i32>} : memref<80x128xf32, #tpu.memory_space<vmem>>, vector<1x16xf32>,
      %swap3A_91 = vector.shape_cast %swap3A_90 : vector<1x16xf32> to vector<16xf32>
      %swap3A_92 = vector.shape_cast %broadcast_in_dim3A_1 : vector<16xf32> to vector<1x16xf32>
      tpu.vector_store %arg11[%swap3A_88, %swap3A_89], %swap3A_92 {strides = array<i32>} : memref<80x128xf32, #tpu.memory_space<vmem>>, vector<1x16xf32>,
      %swap3A_93 = arith.index_cast %scan3A_57 : i32 to index
      %swap3A_94 = arith.constant 112 : index
      %swap3A_95 = tpu.vector_load %arg11[%swap3A_93, %swap3A_94] {strides = array<i32>} : memref<80x128xf32, #tpu.memory_space<vmem>>, vector<1x16xf32>,
      %swap3A_96 = vector.shape_cast %swap3A_95 : vector<1x16xf32> to vector<16xf32>
      %swap3A_97 = vector.shape_cast %broadcast_in_dim3A_1 : vector<16xf32> to vector<1x16xf32>
      tpu.vector_store %arg11[%swap3A_93, %swap3A_94], %swap3A_97 {strides = array<i32>} : memref<80x128xf32, #tpu.memory_space<vmem>>, vector<1x16xf32>,
    }
    %scan3A_6 = arith.constant 80 : i32
    %mul3A_7 = arith.constant 640 : i32
    %mul3A_8 = arith.muli %arg1, %mul3A_7 : i32
    %scan3A_9 = arith.constant 0 : i32
    %scan3A_10 = arith.constant 0 : i32
    %scan3A_11 = arith.constant 8 : i32
    %scan3A_12 = arith.addi %scan3A_10, %scan3A_11 : i32
    %scan3A_13 = arith.constant 1 : i32
    scf.for %scan3A_57 = %scan3A_10 to %scan3A_12 step %scan3A_13  : i32 {
      %mul3A_58 = arith.constant 80 : i32
      %mul3A_59 = arith.muli %scan3A_57, %mul3A_58 : i32
      %add3A_60 = arith.addi %mul3A_8, %mul3A_59 : i32
      %multiple_of3A_61 = tpu.assume_multiple %add3A_60, 8 : i32
      "tpu.region"() ({
        %run_scoped3A = tpu.sem_alloc : memref<!tpu.dma_semaphore, #tpu.memory_space<semaphore_mem>>
        %dma_start3A = arith.constant 0 : i32
        %dma_start3A_62 = tpu.memref_slice %arg7[%multiple_of3A_61, %dma_start3A] : memref<10240x128xf32, #tpu.memory_space<vmem_shared>> -> memref<80x128xf32, #tpu.memory_space<vmem_shared>>
        %dma_start3A_63 = arith.constant 0 : i32
        %dma_start3A_64 = tpu.memref_slice %arg7[%multiple_of3A_61, %dma_start3A_63] : memref<10240x128xf32, #tpu.memory_space<vmem_shared>> -> memref<80x128xf32, #tpu.memory_space<vmem_shared>>
        tpu.enqueue_dma source(%arg11 : memref<80x128xf32, #tpu.memory_space<vmem>>) target(%dma_start3A_64 : memref<80x128xf32, #tpu.memory_space<vmem_shared>>) target_semaphore(%run_scoped3A : memref<!tpu.dma_semaphore, #tpu.memory_space<semaphore_mem>>)
        %dma_wait3A = arith.constant 0 : i32
        %dma_wait3A_65 = tpu.memref_slice %arg7[%multiple_of3A_61, %dma_wait3A] : memref<10240x128xf32, #tpu.memory_space<vmem_shared>> -> memref<80x128xf32, #tpu.memory_space<vmem_shared>>
        %dma_wait3A_66 = arith.constant 0 : i32
        %dma_wait3A_67 = tpu.memref_slice %arg7[%multiple_of3A_61, %dma_wait3A_66] : memref<10240x128xf32, #tpu.memory_space<vmem_shared>> -> memref<80x128xf32, #tpu.memory_space<vmem_shared>>
        tpu.wait_dma2 semaphore(%run_scoped3A : memref<!tpu.dma_semaphore, #tpu.memory_space<semaphore_mem>>) src(%arg11 : memref<80x128xf32, #tpu.memory_space<vmem>>) dst(%dma_wait3A_67 : memref<80x128xf32, #tpu.memory_space<vmem_shared>>)
        tpu.yield
      }) : () -> ()
    }
    %scan3A_14 = arith.constant 8 : i32
    %scan3A_15 = arith.constant 0 : i32
    %scan3A_16 = arith.constant 0 : i32
    %scan3A_17 = arith.constant 40 : i32
    %scan3A_18 = arith.addi %scan3A_16, %scan3A_17 : i32
    %scan3A_19 = arith.constant 1 : i32
    scf.for %scan3A_57 = %scan3A_16 to %scan3A_18 step %scan3A_19  : i32 {
      %mul3A_58 = arith.constant 16 : i32
      %mul3A_59 = arith.muli %scan3A_57, %mul3A_58 : i32
      %swap3A_60 = arith.index_cast %mul3A_59 : i32 to index
      %swap3A_61 = tpu.vector_load %arg13[%swap3A_60] {strides = array<i32>} : memref<640xf32, #tpu.memory_space<vmem>>, vector<16xf32>,
      %swap3A_62 = vector.shape_cast %swap3A_61 : vector<16xf32> to vector<16xf32>
      %swap3A_63 = vector.shape_cast %broadcast_in_dim3A_1 : vector<16xf32> to vector<16xf32>
      tpu.vector_store %arg13[%swap3A_60], %swap3A_63 {strides = array<i32>} : memref<640xf32, #tpu.memory_space<vmem>>, vector<16xf32>,
    }
    %scan3A_20 = arith.constant 40 : i32
    "tpu.region"() ({
      %run_scoped3A = tpu.sem_alloc : memref<!tpu.dma_semaphore, #tpu.memory_space<semaphore_mem>>
      %dma_start3A = tpu.memref_slice %arg8[%mul3A_8] : memref<10240xf32, #tpu.memory_space<vmem_shared>> -> memref<640xf32, #tpu.memory_space<vmem_shared>>
      %dma_start3A_57 = tpu.memref_slice %arg8[%mul3A_8] : memref<10240xf32, #tpu.memory_space<vmem_shared>> -> memref<640xf32, #tpu.memory_space<vmem_shared>>
      tpu.enqueue_dma source(%arg13 : memref<640xf32, #tpu.memory_space<vmem>>) target(%dma_start3A_57 : memref<640xf32, #tpu.memory_space<vmem_shared>>) target_semaphore(%run_scoped3A : memref<!tpu.dma_semaphore, #tpu.memory_space<semaphore_mem>>)
      %dma_wait3A = tpu.memref_slice %arg8[%mul3A_8] : memref<10240xf32, #tpu.memory_space<vmem_shared>> -> memref<640xf32, #tpu.memory_space<vmem_shared>>
      %dma_wait3A_58 = tpu.memref_slice %arg8[%mul3A_8] : memref<10240xf32, #tpu.memory_space<vmem_shared>> -> memref<640xf32, #tpu.memory_space<vmem_shared>>
      tpu.wait_dma2 semaphore(%run_scoped3A : memref<!tpu.dma_semaphore, #tpu.memory_space<semaphore_mem>>) src(%arg13 : memref<640xf32, #tpu.memory_space<vmem>>) dst(%dma_wait3A_58 : memref<640xf32, #tpu.memory_space<vmem_shared>>)
      tpu.yield
    }) : () -> ()
    %broadcast_in_dim3A_21 = arith.constant 1.000000e+00 : f32
    %broadcast_in_dim3A_22 = vector.broadcast %broadcast_in_dim3A_21 : f32 to vector<16xf32>
    %swap3A = arith.constant 0 : index
    %swap3A_23 = tpu.vector_load %arg14[%swap3A] {strides = array<i32>} : memref<80xf32, #tpu.memory_space<vmem>>, vector<16xf32>,
    %swap3A_24 = vector.shape_cast %swap3A_23 : vector<16xf32> to vector<16xf32>
    %swap3A_25 = vector.shape_cast %broadcast_in_dim3A_22 : vector<16xf32> to vector<16xf32>
    tpu.vector_store %arg14[%swap3A], %swap3A_25 {strides = array<i32>} : memref<80xf32, #tpu.memory_space<vmem>>, vector<16xf32>,
    %swap3A_26 = arith.constant 16 : index
    %swap3A_27 = tpu.vector_load %arg14[%swap3A_26] {strides = array<i32>} : memref<80xf32, #tpu.memory_space<vmem>>, vector<16xf32>,
    %swap3A_28 = vector.shape_cast %swap3A_27 : vector<16xf32> to vector<16xf32>
    %swap3A_29 = vector.shape_cast %broadcast_in_dim3A_22 : vector<16xf32> to vector<16xf32>
    tpu.vector_store %arg14[%swap3A_26], %swap3A_29 {strides = array<i32>} : memref<80xf32, #tpu.memory_space<vmem>>, vector<16xf32>,
    %swap3A_30 = arith.constant 32 : index
    %swap3A_31 = tpu.vector_load %arg14[%swap3A_30] {strides = array<i32>} : memref<80xf32, #tpu.memory_space<vmem>>, vector<16xf32>,
    %swap3A_32 = vector.shape_cast %swap3A_31 : vector<16xf32> to vector<16xf32>
    %swap3A_33 = vector.shape_cast %broadcast_in_dim3A_22 : vector<16xf32> to vector<16xf32>
    tpu.vector_store %arg14[%swap3A_30], %swap3A_33 {strides = array<i32>} : memref<80xf32, #tpu.memory_space<vmem>>, vector<16xf32>,
    %swap3A_34 = arith.constant 48 : index
    %swap3A_35 = tpu.vector_load %arg14[%swap3A_34] {strides = array<i32>} : memref<80xf32, #tpu.memory_space<vmem>>, vector<16xf32>,
    %swap3A_36 = vector.shape_cast %swap3A_35 : vector<16xf32> to vector<16xf32>
    %swap3A_37 = vector.shape_cast %broadcast_in_dim3A_22 : vector<16xf32> to vector<16xf32>
    tpu.vector_store %arg14[%swap3A_34], %swap3A_37 {strides = array<i32>} : memref<80xf32, #tpu.memory_space<vmem>>, vector<16xf32>,
    %swap3A_38 = arith.constant 64 : index
    %swap3A_39 = tpu.vector_load %arg14[%swap3A_38] {strides = array<i32>} : memref<80xf32, #tpu.memory_space<vmem>>, vector<16xf32>,
    %swap3A_40 = vector.shape_cast %swap3A_39 : vector<16xf32> to vector<16xf32>
    %swap3A_41 = vector.shape_cast %broadcast_in_dim3A_22 : vector<16xf32> to vector<16xf32>
    tpu.vector_store %arg14[%swap3A_38], %swap3A_41 {strides = array<i32>} : memref<80xf32, #tpu.memory_space<vmem>>, vector<16xf32>,
    %barrier3A = arith.constant 0 : index
    tpu.barrier barrier_id(%barrier3A)
    %scan3A_42 = arith.constant 0 : i32
    %scan3A_43 = arith.constant 10 : i32
    %scan3A_44 = arith.addi %scan3A_42, %scan3A_43 : i32
    %scan3A_45 = arith.constant 1 : i32
    scf.for %scan3A_57 = %scan3A_42 to %scan3A_44 step %scan3A_45  : i32 {
      %mul3A_58 = arith.constant 1 : i32
      %mul3A_59 = arith.muli %scan3A_57, %mul3A_58 : i32
      %add3A_60 = arith.constant 0 : i32
      %add3A_61 = arith.addi %add3A_60, %mul3A_59 : i32
      %mul3A_62 = arith.constant 10 : i32
      %mul3A_63 = arith.muli %add3A, %mul3A_62 : i32
      %add3A_64 = arith.constant 0 : i32
      %add3A_65 = arith.addi %add3A_64, %mul3A_63 : i32
      %add3A_66 = arith.addi %add3A_65, %add3A_61 : i32
      "tpu.region"() ({
        %run_scoped3A_85 = tpu.sem_alloc : memref<!tpu.dma_semaphore, #tpu.memory_space<semaphore_mem>>
        %dma_start3A_86 = arith.constant 0 : i32
        %dma_start3A_87 = arith.constant 0 : i32
        %dma_start3A_88 = tpu.memref_slice %arg3[%add3A_66, %dma_start3A_86, %dma_start3A_87] : memref<320x25x80xi32, #tpu.memory_space<hbm>> -> memref<1x25x80xi32, #tpu.memory_space<hbm>>
        %dma_start3A_89 = tpu.memref_squeeze %dma_start3A_88 : memref<1x25x80xi32, #tpu.memory_space<hbm>> -> memref<25x80xi32, #tpu.memory_space<hbm>>
        %dma_start3A_90 = arith.constant 0 : i32
        %dma_start3A_91 = arith.constant 0 : i32
        %dma_start3A_92 = tpu.memref_slice %arg3[%add3A_66, %dma_start3A_90, %dma_start3A_91] : memref<320x25x80xi32, #tpu.memory_space<hbm>> -> memref<1x25x80xi32, #tpu.memory_space<hbm>>
        %dma_start3A_93 = tpu.memref_squeeze %dma_start3A_92 : memref<1x25x80xi32, #tpu.memory_space<hbm>> -> memref<25x80xi32, #tpu.memory_space<hbm>>
        tpu.enqueue_dma source(%dma_start3A_93 : memref<25x80xi32, #tpu.memory_space<hbm>>) target(%arg9 : memref<25x80xi32, #tpu.memory_space<vmem>>) target_semaphore(%run_scoped3A_85 : memref<!tpu.dma_semaphore, #tpu.memory_space<semaphore_mem>>)
        %dma_wait3A_94 = arith.constant 0 : i32
        %dma_wait3A_95 = arith.constant 0 : i32
        %dma_wait3A_96 = tpu.memref_slice %arg3[%add3A_66, %dma_wait3A_94, %dma_wait3A_95] : memref<320x25x80xi32, #tpu.memory_space<hbm>> -> memref<1x25x80xi32, #tpu.memory_space<hbm>>
        %dma_wait3A_97 = tpu.memref_squeeze %dma_wait3A_96 : memref<1x25x80xi32, #tpu.memory_space<hbm>> -> memref<25x80xi32, #tpu.memory_space<hbm>>
        %dma_wait3A_98 = arith.constant 0 : i32
        %dma_wait3A_99 = arith.constant 0 : i32
        %dma_wait3A_100 = tpu.memref_slice %arg3[%add3A_66, %dma_wait3A_98, %dma_wait3A_99] : memref<320x25x80xi32, #tpu.memory_space<hbm>> -> memref<1x25x80xi32, #tpu.memory_space<hbm>>
        %dma_wait3A_101 = tpu.memref_squeeze %dma_wait3A_100 : memref<1x25x80xi32, #tpu.memory_space<hbm>> -> memref<25x80xi32, #tpu.memory_space<hbm>>
        tpu.wait_dma2 semaphore(%run_scoped3A_85 : memref<!tpu.dma_semaphore, #tpu.memory_space<semaphore_mem>>) src(%dma_wait3A_101 : memref<25x80xi32, #tpu.memory_space<hbm>>) dst(%arg9 : memref<25x80xi32, #tpu.memory_space<vmem>>)
        tpu.yield
      }) : () -> ()
      "tpu.region"() ({
        %run_scoped3A_85 = tpu.sem_alloc : memref<!tpu.dma_semaphore, #tpu.memory_space<semaphore_mem>>
        %dma_start3A_86 = arith.constant 0 : i32
        %dma_start3A_87 = arith.constant 0 : i32
        %dma_start3A_88 = tpu.memref_slice %arg4[%add3A_66, %dma_start3A_86, %dma_start3A_87] : memref<320x25x80xi32, #tpu.memory_space<hbm>> -> memref<1x25x80xi32, #tpu.memory_space<hbm>>
        %dma_start3A_89 = tpu.memref_squeeze %dma_start3A_88 : memref<1x25x80xi32, #tpu.memory_space<hbm>> -> memref<25x80xi32, #tpu.memory_space<hbm>>
        %dma_start3A_90 = arith.constant 0 : i32
        %dma_start3A_91 = arith.constant 0 : i32
        %dma_start3A_92 = tpu.memref_slice %arg4[%add3A_66, %dma_start3A_90, %dma_start3A_91] : memref<320x25x80xi32, #tpu.memory_space<hbm>> -> memref<1x25x80xi32, #tpu.memory_space<hbm>>
        %dma_start3A_93 = tpu.memref_squeeze %dma_start3A_92 : memref<1x25x80xi32, #tpu.memory_space<hbm>> -> memref<25x80xi32, #tpu.memory_space<hbm>>
        tpu.enqueue_dma source(%dma_start3A_93 : memref<25x80xi32, #tpu.memory_space<hbm>>) target(%arg10 : memref<25x80xi32, #tpu.memory_space<vmem>>) target_semaphore(%run_scoped3A_85 : memref<!tpu.dma_semaphore, #tpu.memory_space<semaphore_mem>>)
        %dma_wait3A_94 = arith.constant 0 : i32
        %dma_wait3A_95 = arith.constant 0 : i32
        %dma_wait3A_96 = tpu.memref_slice %arg4[%add3A_66, %dma_wait3A_94, %dma_wait3A_95] : memref<320x25x80xi32, #tpu.memory_space<hbm>> -> memref<1x25x80xi32, #tpu.memory_space<hbm>>
        %dma_wait3A_97 = tpu.memref_squeeze %dma_wait3A_96 : memref<1x25x80xi32, #tpu.memory_space<hbm>> -> memref<25x80xi32, #tpu.memory_space<hbm>>
        %dma_wait3A_98 = arith.constant 0 : i32
        %dma_wait3A_99 = arith.constant 0 : i32
        %dma_wait3A_100 = tpu.memref_slice %arg4[%add3A_66, %dma_wait3A_98, %dma_wait3A_99] : memref<320x25x80xi32, #tpu.memory_space<hbm>> -> memref<1x25x80xi32, #tpu.memory_space<hbm>>
        %dma_wait3A_101 = tpu.memref_squeeze %dma_wait3A_100 : memref<1x25x80xi32, #tpu.memory_space<hbm>> -> memref<25x80xi32, #tpu.memory_space<hbm>>
        tpu.wait_dma2 semaphore(%run_scoped3A_85 : memref<!tpu.dma_semaphore, #tpu.memory_space<semaphore_mem>>) src(%dma_wait3A_101 : memref<25x80xi32, #tpu.memory_space<hbm>>) dst(%arg10 : memref<25x80xi32, #tpu.memory_space<vmem>>)
        tpu.yield
      }) : () -> ()
      %dma_start3A = arith.constant 0 : i32
      %dma_start3A_67 = arith.constant 0 : i32
      %dma_start3A_68 = tpu.memref_slice %arg9[%dma_start3A, %dma_start3A_67] : memref<25x80xi32, #tpu.memory_space<vmem>> -> memref<1x80xi32, #tpu.memory_space<vmem>>
      %dma_start3A_69 = tpu.memref_squeeze %dma_start3A_68 : memref<1x80xi32, #tpu.memory_space<vmem>> -> memref<80xi32, #tpu.memory_space<vmem>>
      %dma_start3A_70 = arith.constant 0 : i32
      %dma_start3A_71 = arith.constant 0 : i32
      %dma_start3A_72 = tpu.memref_slice %arg2[%dma_start3A_70, %dma_start3A_71] : memref<10000x128xf32, #tpu.memory_space<hbm>> -> memref<10000x128xf32, #tpu.memory_space<hbm>>
      tpu.enqueue_indirect_dma source(%dma_start3A_72 : memref<10000x128xf32, #tpu.memory_space<hbm>>) target(%arg11 : memref<80x128xf32, #tpu.memory_space<vmem>>) offsets(%dma_start3A_69 : memref<80xi32, #tpu.memory_space<vmem>>) semaphore(%arg15 : memref<!tpu.dma_semaphore, #tpu.memory_space<semaphore_mem>>)
      %scan3A_73 = arith.constant 0 : i32
      %scan3A_74 = arith.constant 12 : i32
      %scan3A_75 = arith.addi %scan3A_73, %scan3A_74 : i32
      %scan3A_76 = arith.constant 1 : i32
      scf.for %scan3A_85 = %scan3A_73 to %scan3A_75 step %scan3A_76  : i32 {
        %mul3A_86 = arith.constant 1 : i32
        %mul3A_87 = arith.muli %scan3A_85, %mul3A_86 : i32
        %add3A_88 = arith.constant 0 : i32
        %add3A_89 = arith.addi %add3A_88, %mul3A_87 : i32
        %mul3A_90 = arith.constant 2 : i32
        %mul3A_91 = arith.muli %add3A_89, %mul3A_90 : i32
        %add3A_92 = arith.constant 1 : i32
        %add3A_93 = arith.addi %mul3A_91, %add3A_92 : i32
        %dma_start3A_94 = arith.constant 0 : i32
        %dma_start3A_95 = tpu.memref_slice %arg9[%add3A_93, %dma_start3A_94] : memref<25x80xi32, #tpu.memory_space<vmem>> -> memref<1x80xi32, #tpu.memory_space<vmem>>
        %dma_start3A_96 = tpu.memref_squeeze %dma_start3A_95 : memref<1x80xi32, #tpu.memory_space<vmem>> -> memref<80xi32, #tpu.memory_space<vmem>>
        %dma_start3A_97 = arith.constant 0 : i32
        %dma_start3A_98 = arith.constant 0 : i32
        %dma_start3A_99 = tpu.memref_slice %arg2[%dma_start3A_97, %dma_start3A_98] : memref<10000x128xf32, #tpu.memory_space<hbm>> -> memref<10000x128xf32, #tpu.memory_space<hbm>>
        tpu.enqueue_indirect_dma source(%dma_start3A_99 : memref<10000x128xf32, #tpu.memory_space<hbm>>) target(%arg12 : memref<80x128xf32, #tpu.memory_space<vmem>>) offsets(%dma_start3A_96 : memref<80xi32, #tpu.memory_space<vmem>>) semaphore(%arg16 : memref<!tpu.dma_semaphore, #tpu.memory_space<semaphore_mem>>)
        %dma_wait3A_100 = arith.constant 0 : i32
        %dma_wait3A_101 = tpu.memref_slice %arg9[%mul3A_91, %dma_wait3A_100] : memref<25x80xi32, #tpu.memory_space<vmem>> -> memref<1x80xi32, #tpu.memory_space<vmem>>
        %dma_wait3A_102 = tpu.memref_squeeze %dma_wait3A_101 : memref<1x80xi32, #tpu.memory_space<vmem>> -> memref<80xi32, #tpu.memory_space<vmem>>
        %dma_wait3A_103 = arith.constant 0 : i32
        %dma_wait3A_104 = arith.constant 0 : i32
        %dma_wait3A_105 = tpu.memref_slice %arg2[%dma_wait3A_103, %dma_wait3A_104] : memref<10000x128xf32, #tpu.memory_space<hbm>> -> memref<10000x128xf32, #tpu.memory_space<hbm>>
        tpu.wait_indirect_dma semaphore(%arg15 : memref<!tpu.dma_semaphore, #tpu.memory_space<semaphore_mem>>) src(%dma_wait3A_105 : memref<10000x128xf32, #tpu.memory_space<hbm>>) dst(%arg11 : memref<80x128xf32, #tpu.memory_space<vmem>>)
        "tpu.region"() ({
          %run_scoped3A_124 = tpu.sem_alloc : memref<!tpu.dma_semaphore, #tpu.memory_space<semaphore_mem>>
          %dma_start3A_125 = arith.constant 0 : i32
          %dma_start3A_126 = tpu.memref_slice %arg10[%mul3A_91, %dma_start3A_125] : memref<25x80xi32, #tpu.memory_space<vmem>> -> memref<1x80xi32, #tpu.memory_space<vmem>>
          %dma_start3A_127 = tpu.memref_squeeze %dma_start3A_126 : memref<1x80xi32, #tpu.memory_space<vmem>> -> memref<80xi32, #tpu.memory_space<vmem>>
          %dma_start3A_128 = arith.constant 0 : i32
          %dma_start3A_129 = arith.constant 0 : i32
          %dma_start3A_130 = tpu.memref_slice %arg7[%dma_start3A_128, %dma_start3A_129] : memref<10240x128xf32, #tpu.memory_space<vmem_shared>> -> memref<10240x128xf32, #tpu.memory_space<vmem_shared>>
          tpu.enqueue_indirect_dma source(%arg11 : memref<80x128xf32, #tpu.memory_space<vmem>>) target(%dma_start3A_130 : memref<10240x128xf32, #tpu.memory_space<vmem_shared>>) offsets(%dma_start3A_127 : memref<80xi32, #tpu.memory_space<vmem>>) semaphore(%run_scoped3A_124 : memref<!tpu.dma_semaphore, #tpu.memory_space<semaphore_mem>>) {add = true}
          %dma_wait3A_131 = arith.constant 0 : i32
          %dma_wait3A_132 = tpu.memref_slice %arg10[%mul3A_91, %dma_wait3A_131] : memref<25x80xi32, #tpu.memory_space<vmem>> -> memref<1x80xi32, #tpu.memory_space<vmem>>
          %dma_wait3A_133 = tpu.memref_squeeze %dma_wait3A_132 : memref<1x80xi32, #tpu.memory_space<vmem>> -> memref<80xi32, #tpu.memory_space<vmem>>
          %dma_wait3A_134 = arith.constant 0 : i32
          %dma_wait3A_135 = arith.constant 0 : i32
          %dma_wait3A_136 = tpu.memref_slice %arg7[%dma_wait3A_134, %dma_wait3A_135] : memref<10240x128xf32, #tpu.memory_space<vmem_shared>> -> memref<10240x128xf32, #tpu.memory_space<vmem_shared>>
          tpu.wait_indirect_dma semaphore(%run_scoped3A_124 : memref<!tpu.dma_semaphore, #tpu.memory_space<semaphore_mem>>) src(%arg11 : memref<80x128xf32, #tpu.memory_space<vmem>>) dst(%dma_wait3A_136 : memref<10240x128xf32, #tpu.memory_space<vmem_shared>>)
          tpu.yield
        }) : () -> ()
        "tpu.region"() ({
          %run_scoped3A_124 = tpu.sem_alloc : memref<!tpu.dma_semaphore, #tpu.memory_space<semaphore_mem>>
          %dma_start3A_125 = arith.constant 0 : i32
          %dma_start3A_126 = tpu.memref_slice %arg10[%mul3A_91, %dma_start3A_125] : memref<25x80xi32, #tpu.memory_space<vmem>> -> memref<1x80xi32, #tpu.memory_space<vmem>>
          %dma_start3A_127 = tpu.memref_squeeze %dma_start3A_126 : memref<1x80xi32, #tpu.memory_space<vmem>> -> memref<80xi32, #tpu.memory_space<vmem>>
          %dma_start3A_128 = arith.constant 0 : i32
          %dma_start3A_129 = tpu.memref_slice %arg8[%dma_start3A_128] : memref<10240xf32, #tpu.memory_space<vmem_shared>> -> memref<10240xf32, #tpu.memory_space<vmem_shared>>
          tpu.enqueue_indirect_dma source(%arg14 : memref<80xf32, #tpu.memory_space<vmem>>) target(%dma_start3A_129 : memref<10240xf32, #tpu.memory_space<vmem_shared>>) offsets(%dma_start3A_127 : memref<80xi32, #tpu.memory_space<vmem>>) semaphore(%run_scoped3A_124 : memref<!tpu.dma_semaphore, #tpu.memory_space<semaphore_mem>>) {add = true}
          %dma_wait3A_130 = arith.constant 0 : i32
          %dma_wait3A_131 = tpu.memref_slice %arg10[%mul3A_91, %dma_wait3A_130] : memref<25x80xi32, #tpu.memory_space<vmem>> -> memref<1x80xi32, #tpu.memory_space<vmem>>
          %dma_wait3A_132 = tpu.memref_squeeze %dma_wait3A_131 : memref<1x80xi32, #tpu.memory_space<vmem>> -> memref<80xi32, #tpu.memory_space<vmem>>
          %dma_wait3A_133 = arith.constant 0 : i32
          %dma_wait3A_134 = tpu.memref_slice %arg8[%dma_wait3A_133] : memref<10240xf32, #tpu.memory_space<vmem_shared>> -> memref<10240xf32, #tpu.memory_space<vmem_shared>>
          tpu.wait_indirect_dma semaphore(%run_scoped3A_124 : memref<!tpu.dma_semaphore, #tpu.memory_space<semaphore_mem>>) src(%arg14 : memref<80xf32, #tpu.memory_space<vmem>>) dst(%dma_wait3A_134 : memref<10240xf32, #tpu.memory_space<vmem_shared>>)
          tpu.yield
        }) : () -> ()
        %add3A_106 = arith.constant 2 : i32
        %add3A_107 = arith.addi %mul3A_91, %add3A_106 : i32
        %dma_start3A_108 = arith.constant 0 : i32
        %dma_start3A_109 = tpu.memref_slice %arg9[%add3A_107, %dma_start3A_108] : memref<25x80xi32, #tpu.memory_space<vmem>> -> memref<1x80xi32, #tpu.memory_space<vmem>>
        %dma_start3A_110 = tpu.memref_squeeze %dma_start3A_109 : memref<1x80xi32, #tpu.memory_space<vmem>> -> memref<80xi32, #tpu.memory_space<vmem>>
        %dma_start3A_111 = arith.constant 0 : i32
        %dma_start3A_112 = arith.constant 0 : i32
        %dma_start3A_113 = tpu.memref_slice %arg2[%dma_start3A_111, %dma_start3A_112] : memref<10000x128xf32, #tpu.memory_space<hbm>> -> memref<10000x128xf32, #tpu.memory_space<hbm>>
        tpu.enqueue_indirect_dma source(%dma_start3A_113 : memref<10000x128xf32, #tpu.memory_space<hbm>>) target(%arg11 : memref<80x128xf32, #tpu.memory_space<vmem>>) offsets(%dma_start3A_110 : memref<80xi32, #tpu.memory_space<vmem>>) semaphore(%arg15 : memref<!tpu.dma_semaphore, #tpu.memory_space<semaphore_mem>>)
        %add3A_114 = arith.constant 1 : i32
        %add3A_115 = arith.addi %mul3A_91, %add3A_114 : i32
        %dma_wait3A_116 = arith.constant 0 : i32
        %dma_wait3A_117 = tpu.memref_slice %arg9[%add3A_115, %dma_wait3A_116] : memref<25x80xi32, #tpu.memory_space<vmem>> -> memref<1x80xi32, #tpu.memory_space<vmem>>
        %dma_wait3A_118 = tpu.memref_squeeze %dma_wait3A_117 : memref<1x80xi32, #tpu.memory_space<vmem>> -> memref<80xi32, #tpu.memory_space<vmem>>
        %dma_wait3A_119 = arith.constant 0 : i32
        %dma_wait3A_120 = arith.constant 0 : i32
        %dma_wait3A_121 = tpu.memref_slice %arg2[%dma_wait3A_119, %dma_wait3A_120] : memref<10000x128xf32, #tpu.memory_space<hbm>> -> memref<10000x128xf32, #tpu.memory_space<hbm>>
        tpu.wait_indirect_dma semaphore(%arg16 : memref<!tpu.dma_semaphore, #tpu.memory_space<semaphore_mem>>) src(%dma_wait3A_121 : memref<10000x128xf32, #tpu.memory_space<hbm>>) dst(%arg12 : memref<80x128xf32, #tpu.memory_space<vmem>>)
        %add3A_122 = arith.constant 1 : i32
        %add3A_123 = arith.addi %mul3A_91, %add3A_122 : i32
        "tpu.region"() ({
          %run_scoped3A_124 = tpu.sem_alloc : memref<!tpu.dma_semaphore, #tpu.memory_space<semaphore_mem>>
          %dma_start3A_125 = arith.constant 0 : i32
          %dma_start3A_126 = tpu.memref_slice %arg10[%add3A_123, %dma_start3A_125] : memref<25x80xi32, #tpu.memory_space<vmem>> -> memref<1x80xi32, #tpu.memory_space<vmem>>
          %dma_start3A_127 = tpu.memref_squeeze %dma_start3A_126 : memref<1x80xi32, #tpu.memory_space<vmem>> -> memref<80xi32, #tpu.memory_space<vmem>>
          %dma_start3A_128 = arith.constant 0 : i32
          %dma_start3A_129 = arith.constant 0 : i32
          %dma_start3A_130 = tpu.memref_slice %arg7[%dma_start3A_128, %dma_start3A_129] : memref<10240x128xf32, #tpu.memory_space<vmem_shared>> -> memref<10240x128xf32, #tpu.memory_space<vmem_shared>>
          tpu.enqueue_indirect_dma source(%arg12 : memref<80x128xf32, #tpu.memory_space<vmem>>) target(%dma_start3A_130 : memref<10240x128xf32, #tpu.memory_space<vmem_shared>>) offsets(%dma_start3A_127 : memref<80xi32, #tpu.memory_space<vmem>>) semaphore(%run_scoped3A_124 : memref<!tpu.dma_semaphore, #tpu.memory_space<semaphore_mem>>) {add = true}
          %dma_wait3A_131 = arith.constant 0 : i32
          %dma_wait3A_132 = tpu.memref_slice %arg10[%add3A_123, %dma_wait3A_131] : memref<25x80xi32, #tpu.memory_space<vmem>> -> memref<1x80xi32, #tpu.memory_space<vmem>>
          %dma_wait3A_133 = tpu.memref_squeeze %dma_wait3A_132 : memref<1x80xi32, #tpu.memory_space<vmem>> -> memref<80xi32, #tpu.memory_space<vmem>>
          %dma_wait3A_134 = arith.constant 0 : i32
          %dma_wait3A_135 = arith.constant 0 : i32
          %dma_wait3A_136 = tpu.memref_slice %arg7[%dma_wait3A_134, %dma_wait3A_135] : memref<10240x128xf32, #tpu.memory_space<vmem_shared>> -> memref<10240x128xf32, #tpu.memory_space<vmem_shared>>
          tpu.wait_indirect_dma semaphore(%run_scoped3A_124 : memref<!tpu.dma_semaphore, #tpu.memory_space<semaphore_mem>>) src(%arg12 : memref<80x128xf32, #tpu.memory_space<vmem>>) dst(%dma_wait3A_136 : memref<10240x128xf32, #tpu.memory_space<vmem_shared>>)
          tpu.yield
        }) : () -> ()
        "tpu.region"() ({
          %run_scoped3A_124 = tpu.sem_alloc : memref<!tpu.dma_semaphore, #tpu.memory_space<semaphore_mem>>
          %dma_start3A_125 = arith.constant 0 : i32
          %dma_start3A_126 = tpu.memref_slice %arg10[%add3A_123, %dma_start3A_125] : memref<25x80xi32, #tpu.memory_space<vmem>> -> memref<1x80xi32, #tpu.memory_space<vmem>>
          %dma_start3A_127 = tpu.memref_squeeze %dma_start3A_126 : memref<1x80xi32, #tpu.memory_space<vmem>> -> memref<80xi32, #tpu.memory_space<vmem>>
          %dma_start3A_128 = arith.constant 0 : i32
          %dma_start3A_129 = tpu.memref_slice %arg8[%dma_start3A_128] : memref<10240xf32, #tpu.memory_space<vmem_shared>> -> memref<10240xf32, #tpu.memory_space<vmem_shared>>
          tpu.enqueue_indirect_dma source(%arg14 : memref<80xf32, #tpu.memory_space<vmem>>) target(%dma_start3A_129 : memref<10240xf32, #tpu.memory_space<vmem_shared>>) offsets(%dma_start3A_127 : memref<80xi32, #tpu.memory_space<vmem>>) semaphore(%run_scoped3A_124 : memref<!tpu.dma_semaphore, #tpu.memory_space<semaphore_mem>>) {add = true}
          %dma_wait3A_130 = arith.constant 0 : i32
          %dma_wait3A_131 = tpu.memref_slice %arg10[%add3A_123, %dma_wait3A_130] : memref<25x80xi32, #tpu.memory_space<vmem>> -> memref<1x80xi32, #tpu.memory_space<vmem>>
          %dma_wait3A_132 = tpu.memref_squeeze %dma_wait3A_131 : memref<1x80xi32, #tpu.memory_space<vmem>> -> memref<80xi32, #tpu.memory_space<vmem>>
          %dma_wait3A_133 = arith.constant 0 : i32
          %dma_wait3A_134 = tpu.memref_slice %arg8[%dma_wait3A_133] : memref<10240xf32, #tpu.memory_space<vmem_shared>> -> memref<10240xf32, #tpu.memory_space<vmem_shared>>
          tpu.wait_indirect_dma semaphore(%run_scoped3A_124 : memref<!tpu.dma_semaphore, #tpu.memory_space<semaphore_mem>>) src(%arg14 : memref<80xf32, #tpu.memory_space<vmem>>) dst(%dma_wait3A_134 : memref<10240xf32, #tpu.memory_space<vmem_shared>>)
          tpu.yield
        }) : () -> ()
      }
      %scan3A_77 = arith.constant 12 : i32
      %dma_wait3A = arith.constant 24 : i32
      %dma_wait3A_78 = arith.constant 0 : i32
      %dma_wait3A_79 = tpu.memref_slice %arg9[%dma_wait3A, %dma_wait3A_78] : memref<25x80xi32, #tpu.memory_space<vmem>> -> memref<1x80xi32, #tpu.memory_space<vmem>>
      %dma_wait3A_80 = tpu.memref_squeeze %dma_wait3A_79 : memref<1x80xi32, #tpu.memory_space<vmem>> -> memref<80xi32, #tpu.memory_space<vmem>>
      %dma_wait3A_81 = arith.constant 0 : i32
      %dma_wait3A_82 = arith.constant 0 : i32
      %dma_wait3A_83 = tpu.memref_slice %arg2[%dma_wait3A_81, %dma_wait3A_82] : memref<10000x128xf32, #tpu.memory_space<hbm>> -> memref<10000x128xf32, #tpu.memory_space<hbm>>
      tpu.wait_indirect_dma semaphore(%arg15 : memref<!tpu.dma_semaphore, #tpu.memory_space<semaphore_mem>>) src(%dma_wait3A_83 : memref<10000x128xf32, #tpu.memory_space<hbm>>) dst(%arg11 : memref<80x128xf32, #tpu.memory_space<vmem>>)
      %run_scoped3A = arith.constant 24 : i32
      "tpu.region"() ({
        %run_scoped3A_85 = tpu.sem_alloc : memref<!tpu.dma_semaphore, #tpu.memory_space<semaphore_mem>>
        %dma_start3A_86 = arith.constant 0 : i32
        %dma_start3A_87 = tpu.memref_slice %arg10[%run_scoped3A, %dma_start3A_86] : memref<25x80xi32, #tpu.memory_space<vmem>> -> memref<1x80xi32, #tpu.memory_space<vmem>>
        %dma_start3A_88 = tpu.memref_squeeze %dma_start3A_87 : memref<1x80xi32, #tpu.memory_space<vmem>> -> memref<80xi32, #tpu.memory_space<vmem>>
        %dma_start3A_89 = arith.constant 0 : i32
        %dma_start3A_90 = arith.constant 0 : i32
        %dma_start3A_91 = tpu.memref_slice %arg7[%dma_start3A_89, %dma_start3A_90] : memref<10240x128xf32, #tpu.memory_space<vmem_shared>> -> memref<10240x128xf32, #tpu.memory_space<vmem_shared>>
        tpu.enqueue_indirect_dma source(%arg11 : memref<80x128xf32, #tpu.memory_space<vmem>>) target(%dma_start3A_91 : memref<10240x128xf32, #tpu.memory_space<vmem_shared>>) offsets(%dma_start3A_88 : memref<80xi32, #tpu.memory_space<vmem>>) semaphore(%run_scoped3A_85 : memref<!tpu.dma_semaphore, #tpu.memory_space<semaphore_mem>>) {add = true}
        %dma_wait3A_92 = arith.constant 0 : i32
        %dma_wait3A_93 = tpu.memref_slice %arg10[%run_scoped3A, %dma_wait3A_92] : memref<25x80xi32, #tpu.memory_space<vmem>> -> memref<1x80xi32, #tpu.memory_space<vmem>>
        %dma_wait3A_94 = tpu.memref_squeeze %dma_wait3A_93 : memref<1x80xi32, #tpu.memory_space<vmem>> -> memref<80xi32, #tpu.memory_space<vmem>>
        %dma_wait3A_95 = arith.constant 0 : i32
        %dma_wait3A_96 = arith.constant 0 : i32
        %dma_wait3A_97 = tpu.memref_slice %arg7[%dma_wait3A_95, %dma_wait3A_96] : memref<10240x128xf32, #tpu.memory_space<vmem_shared>> -> memref<10240x128xf32, #tpu.memory_space<vmem_shared>>
        tpu.wait_indirect_dma semaphore(%run_scoped3A_85 : memref<!tpu.dma_semaphore, #tpu.memory_space<semaphore_mem>>) src(%arg11 : memref<80x128xf32, #tpu.memory_space<vmem>>) dst(%dma_wait3A_97 : memref<10240x128xf32, #tpu.memory_space<vmem_shared>>)
        tpu.yield
      }) : () -> ()
      %run_scoped3A_84 = arith.constant 24 : i32
      "tpu.region"() ({
        %run_scoped3A_85 = tpu.sem_alloc : memref<!tpu.dma_semaphore, #tpu.memory_space<semaphore_mem>>
        %dma_start3A_86 = arith.constant 0 : i32
        %dma_start3A_87 = tpu.memref_slice %arg10[%run_scoped3A_84, %dma_start3A_86] : memref<25x80xi32, #tpu.memory_space<vmem>> -> memref<1x80xi32, #tpu.memory_space<vmem>>
        %dma_start3A_88 = tpu.memref_squeeze %dma_start3A_87 : memref<1x80xi32, #tpu.memory_space<vmem>> -> memref<80xi32, #tpu.memory_space<vmem>>
        %dma_start3A_89 = arith.constant 0 : i32
        %dma_start3A_90 = tpu.memref_slice %arg8[%dma_start3A_89] : memref<10240xf32, #tpu.memory_space<vmem_shared>> -> memref<10240xf32, #tpu.memory_space<vmem_shared>>
        tpu.enqueue_indirect_dma source(%arg14 : memref<80xf32, #tpu.memory_space<vmem>>) target(%dma_start3A_90 : memref<10240xf32, #tpu.memory_space<vmem_shared>>) offsets(%dma_start3A_88 : memref<80xi32, #tpu.memory_space<vmem>>) semaphore(%run_scoped3A_85 : memref<!tpu.dma_semaphore, #tpu.memory_space<semaphore_mem>>) {add = true}
        %dma_wait3A_91 = arith.constant 0 : i32
        %dma_wait3A_92 = tpu.memref_slice %arg10[%run_scoped3A_84, %dma_wait3A_91] : memref<25x80xi32, #tpu.memory_space<vmem>> -> memref<1x80xi32, #tpu.memory_space<vmem>>
        %dma_wait3A_93 = tpu.memref_squeeze %dma_wait3A_92 : memref<1x80xi32, #tpu.memory_space<vmem>> -> memref<80xi32, #tpu.memory_space<vmem>>
        %dma_wait3A_94 = arith.constant 0 : i32
        %dma_wait3A_95 = tpu.memref_slice %arg8[%dma_wait3A_94] : memref<10240xf32, #tpu.memory_space<vmem_shared>> -> memref<10240xf32, #tpu.memory_space<vmem_shared>>
        tpu.wait_indirect_dma semaphore(%run_scoped3A_85 : memref<!tpu.dma_semaphore, #tpu.memory_space<semaphore_mem>>) src(%arg14 : memref<80xf32, #tpu.memory_space<vmem>>) dst(%dma_wait3A_95 : memref<10240xf32, #tpu.memory_space<vmem_shared>>)
        tpu.yield
      }) : () -> ()
    }
    %scan3A_46 = arith.constant 10 : i32
    %barrier3A_47 = arith.constant 0 : index
    tpu.barrier barrier_id(%barrier3A_47)
    %mul3A_48 = arith.constant 10240 : i32
    %mul3A_49 = arith.muli %arg0, %mul3A_48 : i32
    %add3A_50 = arith.addi %mul3A_49, %mul3A_8 : i32
    %scan3A_51 = arith.constant 0 : i32
    %scan3A_52 = arith.constant 0 : i32
    %scan3A_53 = arith.constant 8 : i32
    %scan3A_54 = arith.addi %scan3A_52, %scan3A_53 : i32
    %scan3A_55 = arith.constant 1 : i32
    scf.for %scan3A_57 = %scan3A_52 to %scan3A_54 step %scan3A_55  : i32 {
      %mul3A_58 = arith.constant 80 : i32
      %mul3A_59 = arith.muli %scan3A_57, %mul3A_58 : i32
      %add3A_60 = arith.addi %mul3A_8, %mul3A_59 : i32
      %multiple_of3A_61 = tpu.assume_multiple %add3A_60, 8 : i32
      %mul3A_62 = arith.constant 80 : i32
      %mul3A_63 = arith.muli %scan3A_57, %mul3A_62 : i32
      %add3A_64 = arith.addi %add3A_50, %mul3A_63 : i32
      %multiple_of3A_65 = tpu.assume_multiple %add3A_64, 8 : i32
      "tpu.region"() ({
        %run_scoped3A = tpu.sem_alloc : memref<!tpu.dma_semaphore, #tpu.memory_space<semaphore_mem>>
        %dma_start3A = arith.constant 0 : i32
        %dma_start3A_66 = tpu.memref_slice %arg7[%multiple_of3A_61, %dma_start3A] : memref<10240x128xf32, #tpu.memory_space<vmem_shared>> -> memref<80x128xf32, #tpu.memory_space<vmem_shared>>
        %dma_start3A_67 = arith.constant 0 : i32
        %dma_start3A_68 = tpu.memref_slice %arg7[%multiple_of3A_61, %dma_start3A_67] : memref<10240x128xf32, #tpu.memory_space<vmem_shared>> -> memref<80x128xf32, #tpu.memory_space<vmem_shared>>
        tpu.enqueue_dma source(%dma_start3A_68 : memref<80x128xf32, #tpu.memory_space<vmem_shared>>) target(%arg11 : memref<80x128xf32, #tpu.memory_space<vmem>>) target_semaphore(%run_scoped3A : memref<!tpu.dma_semaphore, #tpu.memory_space<semaphore_mem>>)
        %dma_wait3A = arith.constant 0 : i32
        %dma_wait3A_69 = tpu.memref_slice %arg7[%multiple_of3A_61, %dma_wait3A] : memref<10240x128xf32, #tpu.memory_space<vmem_shared>> -> memref<80x128xf32, #tpu.memory_space<vmem_shared>>
        %dma_wait3A_70 = arith.constant 0 : i32
        %dma_wait3A_71 = tpu.memref_slice %arg7[%multiple_of3A_61, %dma_wait3A_70] : memref<10240x128xf32, #tpu.memory_space<vmem_shared>> -> memref<80x128xf32, #tpu.memory_space<vmem_shared>>
        tpu.wait_dma2 semaphore(%run_scoped3A : memref<!tpu.dma_semaphore, #tpu.memory_space<semaphore_mem>>) src(%dma_wait3A_71 : memref<80x128xf32, #tpu.memory_space<vmem_shared>>) dst(%arg11 : memref<80x128xf32, #tpu.memory_space<vmem>>)
        tpu.yield
      }) : () -> ()
      "tpu.region"() ({
        %run_scoped3A = tpu.sem_alloc : memref<!tpu.dma_semaphore, #tpu.memory_space<semaphore_mem>>
        %dma_start3A = arith.constant 0 : i32
        %dma_start3A_66 = tpu.memref_slice %arg5[%multiple_of3A_65, %dma_start3A] : memref<20480x128xf32, #tpu.memory_space<hbm>> -> memref<80x128xf32, #tpu.memory_space<hbm>>
        %dma_start3A_67 = arith.constant 0 : i32
        %dma_start3A_68 = tpu.memref_slice %arg5[%multiple_of3A_65, %dma_start3A_67] : memref<20480x128xf32, #tpu.memory_space<hbm>> -> memref<80x128xf32, #tpu.memory_space<hbm>>
        tpu.enqueue_dma source(%arg11 : memref<80x128xf32, #tpu.memory_space<vmem>>) target(%dma_start3A_68 : memref<80x128xf32, #tpu.memory_space<hbm>>) target_semaphore(%run_scoped3A : memref<!tpu.dma_semaphore, #tpu.memory_space<semaphore_mem>>)
        %dma_wait3A = arith.constant 0 : i32
        %dma_wait3A_69 = tpu.memref_slice %arg5[%multiple_of3A_65, %dma_wait3A] : memref<20480x128xf32, #tpu.memory_space<hbm>> -> memref<80x128xf32, #tpu.memory_space<hbm>>
        %dma_wait3A_70 = arith.constant 0 : i32
        %dma_wait3A_71 = tpu.memref_slice %arg5[%multiple_of3A_65, %dma_wait3A_70] : memref<20480x128xf32, #tpu.memory_space<hbm>> -> memref<80x128xf32, #tpu.memory_space<hbm>>
        tpu.wait_dma2 semaphore(%run_scoped3A : memref<!tpu.dma_semaphore, #tpu.memory_space<semaphore_mem>>) src(%arg11 : memref<80x128xf32, #tpu.memory_space<vmem>>) dst(%dma_wait3A_71 : memref<80x128xf32, #tpu.memory_space<hbm>>)
        tpu.yield
      }) : () -> ()
    }
    %scan3A_56 = arith.constant 8 : i32
    "tpu.region"() ({
      %run_scoped3A = tpu.sem_alloc : memref<!tpu.dma_semaphore, #tpu.memory_space<semaphore_mem>>
      %dma_start3A = tpu.memref_slice %arg8[%mul3A_8] : memref<10240xf32, #tpu.memory_space<vmem_shared>> -> memref<640xf32, #tpu.memory_space<vmem_shared>>
      %dma_start3A_57 = tpu.memref_slice %arg8[%mul3A_8] : memref<10240xf32, #tpu.memory_space<vmem_shared>> -> memref<640xf32, #tpu.memory_space<vmem_shared>>
      tpu.enqueue_dma source(%dma_start3A_57 : memref<640xf32, #tpu.memory_space<vmem_shared>>) target(%arg13 : memref<640xf32, #tpu.memory_space<vmem>>) target_semaphore(%run_scoped3A : memref<!tpu.dma_semaphore, #tpu.memory_space<semaphore_mem>>)
      %dma_wait3A = tpu.memref_slice %arg8[%mul3A_8] : memref<10240xf32, #tpu.memory_space<vmem_shared>> -> memref<640xf32, #tpu.memory_space<vmem_shared>>
      %dma_wait3A_58 = tpu.memref_slice %arg8[%mul3A_8] : memref<10240xf32, #tpu.memory_space<vmem_shared>> -> memref<640xf32, #tpu.memory_space<vmem_shared>>
      tpu.wait_dma2 semaphore(%run_scoped3A : memref<!tpu.dma_semaphore, #tpu.memory_space<semaphore_mem>>) src(%dma_wait3A_58 : memref<640xf32, #tpu.memory_space<vmem_shared>>) dst(%arg13 : memref<640xf32, #tpu.memory_space<vmem>>)
      tpu.yield
    }) : () -> ()
    %multiple_of3A = tpu.assume_multiple %add3A_50, 8 : i32
    "tpu.region"() ({
      %run_scoped3A = tpu.sem_alloc : memref<!tpu.dma_semaphore, #tpu.memory_space<semaphore_mem>>
      %dma_start3A = tpu.memref_slice %arg6[%multiple_of3A] : memref<20480xf32, #tpu.memory_space<hbm>> -> memref<640xf32, #tpu.memory_space<hbm>>
      %dma_start3A_57 = tpu.memref_slice %arg6[%multiple_of3A] : memref<20480xf32, #tpu.memory_space<hbm>> -> memref<640xf32, #tpu.memory_space<hbm>>
      tpu.enqueue_dma source(%arg13 : memref<640xf32, #tpu.memory_space<vmem>>) target(%dma_start3A_57 : memref<640xf32, #tpu.memory_space<hbm>>) target_semaphore(%run_scoped3A : memref<!tpu.dma_semaphore, #tpu.memory_space<semaphore_mem>>)
      %dma_wait3A = tpu.memref_slice %arg6[%multiple_of3A] : memref<20480xf32, #tpu.memory_space<hbm>> -> memref<640xf32, #tpu.memory_space<hbm>>
      %dma_wait3A_58 = tpu.memref_slice %arg6[%multiple_of3A] : memref<20480xf32, #tpu.memory_space<hbm>> -> memref<640xf32, #tpu.memory_space<hbm>>
      tpu.wait_dma2 semaphore(%run_scoped3A : memref<!tpu.dma_semaphore, #tpu.memory_space<semaphore_mem>>) src(%arg13 : memref<640xf32, #tpu.memory_space<vmem>>) dst(%dma_wait3A_58 : memref<640xf32, #tpu.memory_space<hbm>>)
      tpu.yield
    }) : () -> ()
    return
  }
}

#map = affine_map<(d0, d1) -> (0, 0)>
#map1 = affine_map<(d0, d1) -> (0, 0, 0)>
module attributes {stable_mosaic.version = 14 : i64} {
  func.func @body(%arg0: i32, %arg1: i32, %arg2: memref<10000x128xf32, #tpu.memory_space<hbm>>, %arg3: memref<160x25x80xi32, #tpu.memory_space<hbm>>, %arg4: memref<160x25x80xi32, #tpu.memory_space<hbm>>, %arg5: memref<20480x128xf32, #tpu.memory_space<hbm>>, %arg6: memref<10240x128xf32, #tpu.memory_space<vmem_shared>>, %arg7: memref<25x80xi32, #tpu.memory_space<vmem>>, %arg8: memref<25x80xi32, #tpu.memory_space<vmem>>, %arg9: memref<80x128xf32, #tpu.memory_space<vmem>>, %arg10: memref<80x128xf32, #tpu.memory_space<vmem>>, %arg11: memref<!tpu.dma_semaphore, #tpu.memory_space<semaphore_mem>>, %arg12: memref<!tpu.dma_semaphore, #tpu.memory_space<semaphore_mem>>) attributes {dimension_semantics = [#tpu.dimension_semantics<core_parallel>, #tpu.dimension_semantics<subcore_parallel>], iteration_bounds = array<i64: 2, 16>, scalar_prefetch = 0 : i64, scratch_operands = 7 : i64, tpu.core_type = #tpu.core_type<sc_vector_subcore>, window_params = [{transform_indices = #map}, {transform_indices = #map1}, {transform_indices = #map1}, {transform_indices = #map}]} {
    %mul3A = arith.constant 16 : i32
    %mul3A_0 = arith.muli %arg0, %mul3A : i32
    %add3A = arith.addi %mul3A_0, %arg1 : i32
    %broadcast_in_dim3A = arith.constant 0.000000e+00 : f32
    %broadcast_in_dim3A_1 = vector.broadcast %broadcast_in_dim3A : f32 to vector<16xf32>
    %scan3A = arith.constant 0 : i32
    %scan3A_2 = arith.constant 0 : i32
    %scan3A_3 = arith.constant 80 : i32
    %scan3A_4 = arith.addi %scan3A_2, %scan3A_3 : i32
    %scan3A_5 = arith.constant 1 : i32
    scf.for %scan3A_30 = %scan3A_2 to %scan3A_4 step %scan3A_5  : i32 {
      %swap3A = arith.index_cast %scan3A_30 : i32 to index
      %swap3A_31 = arith.constant 0 : index
      %swap3A_32 = tpu.vector_load %arg9[%swap3A, %swap3A_31] {strides = array<i32>} : memref<80x128xf32, #tpu.memory_space<vmem>>, vector<1x16xf32>,
      %swap3A_33 = vector.shape_cast %swap3A_32 : vector<1x16xf32> to vector<16xf32>
      %swap3A_34 = vector.shape_cast %broadcast_in_dim3A_1 : vector<16xf32> to vector<1x16xf32>
      tpu.vector_store %arg9[%swap3A, %swap3A_31], %swap3A_34 {strides = array<i32>} : memref<80x128xf32, #tpu.memory_space<vmem>>, vector<1x16xf32>,
      %swap3A_35 = arith.index_cast %scan3A_30 : i32 to index
      %swap3A_36 = arith.constant 16 : index
      %swap3A_37 = tpu.vector_load %arg9[%swap3A_35, %swap3A_36] {strides = array<i32>} : memref<80x128xf32, #tpu.memory_space<vmem>>, vector<1x16xf32>,
      %swap3A_38 = vector.shape_cast %swap3A_37 : vector<1x16xf32> to vector<16xf32>
      %swap3A_39 = vector.shape_cast %broadcast_in_dim3A_1 : vector<16xf32> to vector<1x16xf32>
      tpu.vector_store %arg9[%swap3A_35, %swap3A_36], %swap3A_39 {strides = array<i32>} : memref<80x128xf32, #tpu.memory_space<vmem>>, vector<1x16xf32>,
      %swap3A_40 = arith.index_cast %scan3A_30 : i32 to index
      %swap3A_41 = arith.constant 32 : index
      %swap3A_42 = tpu.vector_load %arg9[%swap3A_40, %swap3A_41] {strides = array<i32>} : memref<80x128xf32, #tpu.memory_space<vmem>>, vector<1x16xf32>,
      %swap3A_43 = vector.shape_cast %swap3A_42 : vector<1x16xf32> to vector<16xf32>
      %swap3A_44 = vector.shape_cast %broadcast_in_dim3A_1 : vector<16xf32> to vector<1x16xf32>
      tpu.vector_store %arg9[%swap3A_40, %swap3A_41], %swap3A_44 {strides = array<i32>} : memref<80x128xf32, #tpu.memory_space<vmem>>, vector<1x16xf32>,
      %swap3A_45 = arith.index_cast %scan3A_30 : i32 to index
      %swap3A_46 = arith.constant 48 : index
      %swap3A_47 = tpu.vector_load %arg9[%swap3A_45, %swap3A_46] {strides = array<i32>} : memref<80x128xf32, #tpu.memory_space<vmem>>, vector<1x16xf32>,
      %swap3A_48 = vector.shape_cast %swap3A_47 : vector<1x16xf32> to vector<16xf32>
      %swap3A_49 = vector.shape_cast %broadcast_in_dim3A_1 : vector<16xf32> to vector<1x16xf32>
      tpu.vector_store %arg9[%swap3A_45, %swap3A_46], %swap3A_49 {strides = array<i32>} : memref<80x128xf32, #tpu.memory_space<vmem>>, vector<1x16xf32>,
      %swap3A_50 = arith.index_cast %scan3A_30 : i32 to index
      %swap3A_51 = arith.constant 64 : index
      %swap3A_52 = tpu.vector_load %arg9[%swap3A_50, %swap3A_51] {strides = array<i32>} : memref<80x128xf32, #tpu.memory_space<vmem>>, vector<1x16xf32>,
      %swap3A_53 = vector.shape_cast %swap3A_52 : vector<1x16xf32> to vector<16xf32>
      %swap3A_54 = vector.shape_cast %broadcast_in_dim3A_1 : vector<16xf32> to vector<1x16xf32>
      tpu.vector_store %arg9[%swap3A_50, %swap3A_51], %swap3A_54 {strides = array<i32>} : memref<80x128xf32, #tpu.memory_space<vmem>>, vector<1x16xf32>,
      %swap3A_55 = arith.index_cast %scan3A_30 : i32 to index
      %swap3A_56 = arith.constant 80 : index
      %swap3A_57 = tpu.vector_load %arg9[%swap3A_55, %swap3A_56] {strides = array<i32>} : memref<80x128xf32, #tpu.memory_space<vmem>>, vector<1x16xf32>,
      %swap3A_58 = vector.shape_cast %swap3A_57 : vector<1x16xf32> to vector<16xf32>
      %swap3A_59 = vector.shape_cast %broadcast_in_dim3A_1 : vector<16xf32> to vector<1x16xf32>
      tpu.vector_store %arg9[%swap3A_55, %swap3A_56], %swap3A_59 {strides = array<i32>} : memref<80x128xf32, #tpu.memory_space<vmem>>, vector<1x16xf32>,
      %swap3A_60 = arith.index_cast %scan3A_30 : i32 to index
      %swap3A_61 = arith.constant 96 : index
      %swap3A_62 = tpu.vector_load %arg9[%swap3A_60, %swap3A_61] {strides = array<i32>} : memref<80x128xf32, #tpu.memory_space<vmem>>, vector<1x16xf32>,
      %swap3A_63 = vector.shape_cast %swap3A_62 : vector<1x16xf32> to vector<16xf32>
      %swap3A_64 = vector.shape_cast %broadcast_in_dim3A_1 : vector<16xf32> to vector<1x16xf32>
      tpu.vector_store %arg9[%swap3A_60, %swap3A_61], %swap3A_64 {strides = array<i32>} : memref<80x128xf32, #tpu.memory_space<vmem>>, vector<1x16xf32>,
      %swap3A_65 = arith.index_cast %scan3A_30 : i32 to index
      %swap3A_66 = arith.constant 112 : index
      %swap3A_67 = tpu.vector_load %arg9[%swap3A_65, %swap3A_66] {strides = array<i32>} : memref<80x128xf32, #tpu.memory_space<vmem>>, vector<1x16xf32>,
      %swap3A_68 = vector.shape_cast %swap3A_67 : vector<1x16xf32> to vector<16xf32>
      %swap3A_69 = vector.shape_cast %broadcast_in_dim3A_1 : vector<16xf32> to vector<1x16xf32>
      tpu.vector_store %arg9[%swap3A_65, %swap3A_66], %swap3A_69 {strides = array<i32>} : memref<80x128xf32, #tpu.memory_space<vmem>>, vector<1x16xf32>,
    }
    %scan3A_6 = arith.constant 80 : i32
    %mul3A_7 = arith.constant 640 : i32
    %mul3A_8 = arith.muli %arg1, %mul3A_7 : i32
    %scan3A_9 = arith.constant 0 : i32
    %scan3A_10 = arith.constant 0 : i32
    %scan3A_11 = arith.constant 8 : i32
    %scan3A_12 = arith.addi %scan3A_10, %scan3A_11 : i32
    %scan3A_13 = arith.constant 1 : i32
    scf.for %scan3A_30 = %scan3A_10 to %scan3A_12 step %scan3A_13  : i32 {
      %mul3A_31 = arith.constant 80 : i32
      %mul3A_32 = arith.muli %scan3A_30, %mul3A_31 : i32
      %add3A_33 = arith.addi %mul3A_8, %mul3A_32 : i32
      %multiple_of3A = tpu.assume_multiple %add3A_33, 8 : i32
      "tpu.region"() ({
        %run_scoped3A = tpu.sem_alloc : memref<!tpu.dma_semaphore, #tpu.memory_space<semaphore_mem>>
        %dma_start3A = arith.constant 0 : i32
        %dma_start3A_34 = tpu.memref_slice %arg6[%multiple_of3A, %dma_start3A] : memref<10240x128xf32, #tpu.memory_space<vmem_shared>> -> memref<80x128xf32, #tpu.memory_space<vmem_shared>>
        %dma_start3A_35 = arith.constant 0 : i32
        %dma_start3A_36 = tpu.memref_slice %arg6[%multiple_of3A, %dma_start3A_35] : memref<10240x128xf32, #tpu.memory_space<vmem_shared>> -> memref<80x128xf32, #tpu.memory_space<vmem_shared>>
        tpu.enqueue_dma source(%arg9 : memref<80x128xf32, #tpu.memory_space<vmem>>) target(%dma_start3A_36 : memref<80x128xf32, #tpu.memory_space<vmem_shared>>) target_semaphore(%run_scoped3A : memref<!tpu.dma_semaphore, #tpu.memory_space<semaphore_mem>>)
        %dma_wait3A = arith.constant 0 : i32
        %dma_wait3A_37 = tpu.memref_slice %arg6[%multiple_of3A, %dma_wait3A] : memref<10240x128xf32, #tpu.memory_space<vmem_shared>> -> memref<80x128xf32, #tpu.memory_space<vmem_shared>>
        %dma_wait3A_38 = arith.constant 0 : i32
        %dma_wait3A_39 = tpu.memref_slice %arg6[%multiple_of3A, %dma_wait3A_38] : memref<10240x128xf32, #tpu.memory_space<vmem_shared>> -> memref<80x128xf32, #tpu.memory_space<vmem_shared>>
        tpu.wait_dma2 semaphore(%run_scoped3A : memref<!tpu.dma_semaphore, #tpu.memory_space<semaphore_mem>>) src(%arg9 : memref<80x128xf32, #tpu.memory_space<vmem>>) dst(%dma_wait3A_39 : memref<80x128xf32, #tpu.memory_space<vmem_shared>>)
        tpu.yield
      }) : () -> ()
    }
    %scan3A_14 = arith.constant 8 : i32
    %barrier3A = arith.constant 0 : index
    tpu.barrier barrier_id(%barrier3A)
    %scan3A_15 = arith.constant 0 : i32
    %scan3A_16 = arith.constant 5 : i32
    %scan3A_17 = arith.addi %scan3A_15, %scan3A_16 : i32
    %scan3A_18 = arith.constant 1 : i32
    scf.for %scan3A_30 = %scan3A_15 to %scan3A_17 step %scan3A_18  : i32 {
      %mul3A_31 = arith.constant 1 : i32
      %mul3A_32 = arith.muli %scan3A_30, %mul3A_31 : i32
      %add3A_33 = arith.constant 0 : i32
      %add3A_34 = arith.addi %add3A_33, %mul3A_32 : i32
      %mul3A_35 = arith.constant 5 : i32
      %mul3A_36 = arith.muli %add3A, %mul3A_35 : i32
      %add3A_37 = arith.constant 0 : i32
      %add3A_38 = arith.addi %add3A_37, %mul3A_36 : i32
      %add3A_39 = arith.addi %add3A_38, %add3A_34 : i32
      "tpu.region"() ({
        %run_scoped3A_57 = tpu.sem_alloc : memref<!tpu.dma_semaphore, #tpu.memory_space<semaphore_mem>>
        %dma_start3A_58 = arith.constant 0 : i32
        %dma_start3A_59 = arith.constant 0 : i32
        %dma_start3A_60 = tpu.memref_slice %arg3[%add3A_39, %dma_start3A_58, %dma_start3A_59] : memref<160x25x80xi32, #tpu.memory_space<hbm>> -> memref<1x25x80xi32, #tpu.memory_space<hbm>>
        %dma_start3A_61 = tpu.memref_squeeze %dma_start3A_60 : memref<1x25x80xi32, #tpu.memory_space<hbm>> -> memref<25x80xi32, #tpu.memory_space<hbm>>
        %dma_start3A_62 = arith.constant 0 : i32
        %dma_start3A_63 = arith.constant 0 : i32
        %dma_start3A_64 = tpu.memref_slice %arg3[%add3A_39, %dma_start3A_62, %dma_start3A_63] : memref<160x25x80xi32, #tpu.memory_space<hbm>> -> memref<1x25x80xi32, #tpu.memory_space<hbm>>
        %dma_start3A_65 = tpu.memref_squeeze %dma_start3A_64 : memref<1x25x80xi32, #tpu.memory_space<hbm>> -> memref<25x80xi32, #tpu.memory_space<hbm>>
        tpu.enqueue_dma source(%dma_start3A_65 : memref<25x80xi32, #tpu.memory_space<hbm>>) target(%arg7 : memref<25x80xi32, #tpu.memory_space<vmem>>) target_semaphore(%run_scoped3A_57 : memref<!tpu.dma_semaphore, #tpu.memory_space<semaphore_mem>>)
        %dma_wait3A_66 = arith.constant 0 : i32
        %dma_wait3A_67 = arith.constant 0 : i32
        %dma_wait3A_68 = tpu.memref_slice %arg3[%add3A_39, %dma_wait3A_66, %dma_wait3A_67] : memref<160x25x80xi32, #tpu.memory_space<hbm>> -> memref<1x25x80xi32, #tpu.memory_space<hbm>>
        %dma_wait3A_69 = tpu.memref_squeeze %dma_wait3A_68 : memref<1x25x80xi32, #tpu.memory_space<hbm>> -> memref<25x80xi32, #tpu.memory_space<hbm>>
        %dma_wait3A_70 = arith.constant 0 : i32
        %dma_wait3A_71 = arith.constant 0 : i32
        %dma_wait3A_72 = tpu.memref_slice %arg3[%add3A_39, %dma_wait3A_70, %dma_wait3A_71] : memref<160x25x80xi32, #tpu.memory_space<hbm>> -> memref<1x25x80xi32, #tpu.memory_space<hbm>>
        %dma_wait3A_73 = tpu.memref_squeeze %dma_wait3A_72 : memref<1x25x80xi32, #tpu.memory_space<hbm>> -> memref<25x80xi32, #tpu.memory_space<hbm>>
        tpu.wait_dma2 semaphore(%run_scoped3A_57 : memref<!tpu.dma_semaphore, #tpu.memory_space<semaphore_mem>>) src(%dma_wait3A_73 : memref<25x80xi32, #tpu.memory_space<hbm>>) dst(%arg7 : memref<25x80xi32, #tpu.memory_space<vmem>>)
        tpu.yield
      }) : () -> ()
      "tpu.region"() ({
        %run_scoped3A_57 = tpu.sem_alloc : memref<!tpu.dma_semaphore, #tpu.memory_space<semaphore_mem>>
        %dma_start3A_58 = arith.constant 0 : i32
        %dma_start3A_59 = arith.constant 0 : i32
        %dma_start3A_60 = tpu.memref_slice %arg4[%add3A_39, %dma_start3A_58, %dma_start3A_59] : memref<160x25x80xi32, #tpu.memory_space<hbm>> -> memref<1x25x80xi32, #tpu.memory_space<hbm>>
        %dma_start3A_61 = tpu.memref_squeeze %dma_start3A_60 : memref<1x25x80xi32, #tpu.memory_space<hbm>> -> memref<25x80xi32, #tpu.memory_space<hbm>>
        %dma_start3A_62 = arith.constant 0 : i32
        %dma_start3A_63 = arith.constant 0 : i32
        %dma_start3A_64 = tpu.memref_slice %arg4[%add3A_39, %dma_start3A_62, %dma_start3A_63] : memref<160x25x80xi32, #tpu.memory_space<hbm>> -> memref<1x25x80xi32, #tpu.memory_space<hbm>>
        %dma_start3A_65 = tpu.memref_squeeze %dma_start3A_64 : memref<1x25x80xi32, #tpu.memory_space<hbm>> -> memref<25x80xi32, #tpu.memory_space<hbm>>
        tpu.enqueue_dma source(%dma_start3A_65 : memref<25x80xi32, #tpu.memory_space<hbm>>) target(%arg8 : memref<25x80xi32, #tpu.memory_space<vmem>>) target_semaphore(%run_scoped3A_57 : memref<!tpu.dma_semaphore, #tpu.memory_space<semaphore_mem>>)
        %dma_wait3A_66 = arith.constant 0 : i32
        %dma_wait3A_67 = arith.constant 0 : i32
        %dma_wait3A_68 = tpu.memref_slice %arg4[%add3A_39, %dma_wait3A_66, %dma_wait3A_67] : memref<160x25x80xi32, #tpu.memory_space<hbm>> -> memref<1x25x80xi32, #tpu.memory_space<hbm>>
        %dma_wait3A_69 = tpu.memref_squeeze %dma_wait3A_68 : memref<1x25x80xi32, #tpu.memory_space<hbm>> -> memref<25x80xi32, #tpu.memory_space<hbm>>
        %dma_wait3A_70 = arith.constant 0 : i32
        %dma_wait3A_71 = arith.constant 0 : i32
        %dma_wait3A_72 = tpu.memref_slice %arg4[%add3A_39, %dma_wait3A_70, %dma_wait3A_71] : memref<160x25x80xi32, #tpu.memory_space<hbm>> -> memref<1x25x80xi32, #tpu.memory_space<hbm>>
        %dma_wait3A_73 = tpu.memref_squeeze %dma_wait3A_72 : memref<1x25x80xi32, #tpu.memory_space<hbm>> -> memref<25x80xi32, #tpu.memory_space<hbm>>
        tpu.wait_dma2 semaphore(%run_scoped3A_57 : memref<!tpu.dma_semaphore, #tpu.memory_space<semaphore_mem>>) src(%dma_wait3A_73 : memref<25x80xi32, #tpu.memory_space<hbm>>) dst(%arg8 : memref<25x80xi32, #tpu.memory_space<vmem>>)
        tpu.yield
      }) : () -> ()
      %dma_start3A = arith.constant 0 : i32
      %dma_start3A_40 = arith.constant 0 : i32
      %dma_start3A_41 = tpu.memref_slice %arg7[%dma_start3A, %dma_start3A_40] : memref<25x80xi32, #tpu.memory_space<vmem>> -> memref<1x80xi32, #tpu.memory_space<vmem>>
      %dma_start3A_42 = tpu.memref_squeeze %dma_start3A_41 : memref<1x80xi32, #tpu.memory_space<vmem>> -> memref<80xi32, #tpu.memory_space<vmem>>
      %dma_start3A_43 = arith.constant 0 : i32
      %dma_start3A_44 = arith.constant 0 : i32
      %dma_start3A_45 = tpu.memref_slice %arg2[%dma_start3A_43, %dma_start3A_44] : memref<10000x128xf32, #tpu.memory_space<hbm>> -> memref<10000x128xf32, #tpu.memory_space<hbm>>
      tpu.enqueue_indirect_dma source(%dma_start3A_45 : memref<10000x128xf32, #tpu.memory_space<hbm>>) target(%arg9 : memref<80x128xf32, #tpu.memory_space<vmem>>) offsets(%dma_start3A_42 : memref<80xi32, #tpu.memory_space<vmem>>) semaphore(%arg11 : memref<!tpu.dma_semaphore, #tpu.memory_space<semaphore_mem>>)
      %scan3A_46 = arith.constant 0 : i32
      %scan3A_47 = arith.constant 12 : i32
      %scan3A_48 = arith.addi %scan3A_46, %scan3A_47 : i32
      %scan3A_49 = arith.constant 1 : i32
      scf.for %scan3A_57 = %scan3A_46 to %scan3A_48 step %scan3A_49  : i32 {
        %mul3A_58 = arith.constant 1 : i32
        %mul3A_59 = arith.muli %scan3A_57, %mul3A_58 : i32
        %add3A_60 = arith.constant 0 : i32
        %add3A_61 = arith.addi %add3A_60, %mul3A_59 : i32
        %mul3A_62 = arith.constant 2 : i32
        %mul3A_63 = arith.muli %add3A_61, %mul3A_62 : i32
        %add3A_64 = arith.constant 1 : i32
        %add3A_65 = arith.addi %mul3A_63, %add3A_64 : i32
        %dma_start3A_66 = arith.constant 0 : i32
        %dma_start3A_67 = tpu.memref_slice %arg7[%add3A_65, %dma_start3A_66] : memref<25x80xi32, #tpu.memory_space<vmem>> -> memref<1x80xi32, #tpu.memory_space<vmem>>
        %dma_start3A_68 = tpu.memref_squeeze %dma_start3A_67 : memref<1x80xi32, #tpu.memory_space<vmem>> -> memref<80xi32, #tpu.memory_space<vmem>>
        %dma_start3A_69 = arith.constant 0 : i32
        %dma_start3A_70 = arith.constant 0 : i32
        %dma_start3A_71 = tpu.memref_slice %arg2[%dma_start3A_69, %dma_start3A_70] : memref<10000x128xf32, #tpu.memory_space<hbm>> -> memref<10000x128xf32, #tpu.memory_space<hbm>>
        tpu.enqueue_indirect_dma source(%dma_start3A_71 : memref<10000x128xf32, #tpu.memory_space<hbm>>) target(%arg10 : memref<80x128xf32, #tpu.memory_space<vmem>>) offsets(%dma_start3A_68 : memref<80xi32, #tpu.memory_space<vmem>>) semaphore(%arg12 : memref<!tpu.dma_semaphore, #tpu.memory_space<semaphore_mem>>)
        %dma_wait3A_72 = arith.constant 0 : i32
        %dma_wait3A_73 = tpu.memref_slice %arg7[%mul3A_63, %dma_wait3A_72] : memref<25x80xi32, #tpu.memory_space<vmem>> -> memref<1x80xi32, #tpu.memory_space<vmem>>
        %dma_wait3A_74 = tpu.memref_squeeze %dma_wait3A_73 : memref<1x80xi32, #tpu.memory_space<vmem>> -> memref<80xi32, #tpu.memory_space<vmem>>
        %dma_wait3A_75 = arith.constant 0 : i32
        %dma_wait3A_76 = arith.constant 0 : i32
        %dma_wait3A_77 = tpu.memref_slice %arg2[%dma_wait3A_75, %dma_wait3A_76] : memref<10000x128xf32, #tpu.memory_space<hbm>> -> memref<10000x128xf32, #tpu.memory_space<hbm>>
        tpu.wait_indirect_dma semaphore(%arg11 : memref<!tpu.dma_semaphore, #tpu.memory_space<semaphore_mem>>) src(%dma_wait3A_77 : memref<10000x128xf32, #tpu.memory_space<hbm>>) dst(%arg9 : memref<80x128xf32, #tpu.memory_space<vmem>>)
        "tpu.region"() ({
          %run_scoped3A_96 = tpu.sem_alloc : memref<!tpu.dma_semaphore, #tpu.memory_space<semaphore_mem>>
          %dma_start3A_97 = arith.constant 0 : i32
          %dma_start3A_98 = tpu.memref_slice %arg8[%mul3A_63, %dma_start3A_97] : memref<25x80xi32, #tpu.memory_space<vmem>> -> memref<1x80xi32, #tpu.memory_space<vmem>>
          %dma_start3A_99 = tpu.memref_squeeze %dma_start3A_98 : memref<1x80xi32, #tpu.memory_space<vmem>> -> memref<80xi32, #tpu.memory_space<vmem>>
          %dma_start3A_100 = arith.constant 0 : i32
          %dma_start3A_101 = arith.constant 0 : i32
          %dma_start3A_102 = tpu.memref_slice %arg6[%dma_start3A_100, %dma_start3A_101] : memref<10240x128xf32, #tpu.memory_space<vmem_shared>> -> memref<10240x128xf32, #tpu.memory_space<vmem_shared>>
          tpu.enqueue_indirect_dma source(%arg9 : memref<80x128xf32, #tpu.memory_space<vmem>>) target(%dma_start3A_102 : memref<10240x128xf32, #tpu.memory_space<vmem_shared>>) offsets(%dma_start3A_99 : memref<80xi32, #tpu.memory_space<vmem>>) semaphore(%run_scoped3A_96 : memref<!tpu.dma_semaphore, #tpu.memory_space<semaphore_mem>>) {add = true}
          %dma_wait3A_103 = arith.constant 0 : i32
          %dma_wait3A_104 = tpu.memref_slice %arg8[%mul3A_63, %dma_wait3A_103] : memref<25x80xi32, #tpu.memory_space<vmem>> -> memref<1x80xi32, #tpu.memory_space<vmem>>
          %dma_wait3A_105 = tpu.memref_squeeze %dma_wait3A_104 : memref<1x80xi32, #tpu.memory_space<vmem>> -> memref<80xi32, #tpu.memory_space<vmem>>
          %dma_wait3A_106 = arith.constant 0 : i32
          %dma_wait3A_107 = arith.constant 0 : i32
          %dma_wait3A_108 = tpu.memref_slice %arg6[%dma_wait3A_106, %dma_wait3A_107] : memref<10240x128xf32, #tpu.memory_space<vmem_shared>> -> memref<10240x128xf32, #tpu.memory_space<vmem_shared>>
          tpu.wait_indirect_dma semaphore(%run_scoped3A_96 : memref<!tpu.dma_semaphore, #tpu.memory_space<semaphore_mem>>) src(%arg9 : memref<80x128xf32, #tpu.memory_space<vmem>>) dst(%dma_wait3A_108 : memref<10240x128xf32, #tpu.memory_space<vmem_shared>>)
          tpu.yield
        }) : () -> ()
        %add3A_78 = arith.constant 2 : i32
        %add3A_79 = arith.addi %mul3A_63, %add3A_78 : i32
        %dma_start3A_80 = arith.constant 0 : i32
        %dma_start3A_81 = tpu.memref_slice %arg7[%add3A_79, %dma_start3A_80] : memref<25x80xi32, #tpu.memory_space<vmem>> -> memref<1x80xi32, #tpu.memory_space<vmem>>
        %dma_start3A_82 = tpu.memref_squeeze %dma_start3A_81 : memref<1x80xi32, #tpu.memory_space<vmem>> -> memref<80xi32, #tpu.memory_space<vmem>>
        %dma_start3A_83 = arith.constant 0 : i32
        %dma_start3A_84 = arith.constant 0 : i32
        %dma_start3A_85 = tpu.memref_slice %arg2[%dma_start3A_83, %dma_start3A_84] : memref<10000x128xf32, #tpu.memory_space<hbm>> -> memref<10000x128xf32, #tpu.memory_space<hbm>>
        tpu.enqueue_indirect_dma source(%dma_start3A_85 : memref<10000x128xf32, #tpu.memory_space<hbm>>) target(%arg9 : memref<80x128xf32, #tpu.memory_space<vmem>>) offsets(%dma_start3A_82 : memref<80xi32, #tpu.memory_space<vmem>>) semaphore(%arg11 : memref<!tpu.dma_semaphore, #tpu.memory_space<semaphore_mem>>)
        %add3A_86 = arith.constant 1 : i32
        %add3A_87 = arith.addi %mul3A_63, %add3A_86 : i32
        %dma_wait3A_88 = arith.constant 0 : i32
        %dma_wait3A_89 = tpu.memref_slice %arg7[%add3A_87, %dma_wait3A_88] : memref<25x80xi32, #tpu.memory_space<vmem>> -> memref<1x80xi32, #tpu.memory_space<vmem>>
        %dma_wait3A_90 = tpu.memref_squeeze %dma_wait3A_89 : memref<1x80xi32, #tpu.memory_space<vmem>> -> memref<80xi32, #tpu.memory_space<vmem>>
        %dma_wait3A_91 = arith.constant 0 : i32
        %dma_wait3A_92 = arith.constant 0 : i32
        %dma_wait3A_93 = tpu.memref_slice %arg2[%dma_wait3A_91, %dma_wait3A_92] : memref<10000x128xf32, #tpu.memory_space<hbm>> -> memref<10000x128xf32, #tpu.memory_space<hbm>>
        tpu.wait_indirect_dma semaphore(%arg12 : memref<!tpu.dma_semaphore, #tpu.memory_space<semaphore_mem>>) src(%dma_wait3A_93 : memref<10000x128xf32, #tpu.memory_space<hbm>>) dst(%arg10 : memref<80x128xf32, #tpu.memory_space<vmem>>)
        %add3A_94 = arith.constant 1 : i32
        %add3A_95 = arith.addi %mul3A_63, %add3A_94 : i32
        "tpu.region"() ({
          %run_scoped3A_96 = tpu.sem_alloc : memref<!tpu.dma_semaphore, #tpu.memory_space<semaphore_mem>>
          %dma_start3A_97 = arith.constant 0 : i32
          %dma_start3A_98 = tpu.memref_slice %arg8[%add3A_95, %dma_start3A_97] : memref<25x80xi32, #tpu.memory_space<vmem>> -> memref<1x80xi32, #tpu.memory_space<vmem>>
          %dma_start3A_99 = tpu.memref_squeeze %dma_start3A_98 : memref<1x80xi32, #tpu.memory_space<vmem>> -> memref<80xi32, #tpu.memory_space<vmem>>
          %dma_start3A_100 = arith.constant 0 : i32
          %dma_start3A_101 = arith.constant 0 : i32
          %dma_start3A_102 = tpu.memref_slice %arg6[%dma_start3A_100, %dma_start3A_101] : memref<10240x128xf32, #tpu.memory_space<vmem_shared>> -> memref<10240x128xf32, #tpu.memory_space<vmem_shared>>
          tpu.enqueue_indirect_dma source(%arg10 : memref<80x128xf32, #tpu.memory_space<vmem>>) target(%dma_start3A_102 : memref<10240x128xf32, #tpu.memory_space<vmem_shared>>) offsets(%dma_start3A_99 : memref<80xi32, #tpu.memory_space<vmem>>) semaphore(%run_scoped3A_96 : memref<!tpu.dma_semaphore, #tpu.memory_space<semaphore_mem>>) {add = true}
          %dma_wait3A_103 = arith.constant 0 : i32
          %dma_wait3A_104 = tpu.memref_slice %arg8[%add3A_95, %dma_wait3A_103] : memref<25x80xi32, #tpu.memory_space<vmem>> -> memref<1x80xi32, #tpu.memory_space<vmem>>
          %dma_wait3A_105 = tpu.memref_squeeze %dma_wait3A_104 : memref<1x80xi32, #tpu.memory_space<vmem>> -> memref<80xi32, #tpu.memory_space<vmem>>
          %dma_wait3A_106 = arith.constant 0 : i32
          %dma_wait3A_107 = arith.constant 0 : i32
          %dma_wait3A_108 = tpu.memref_slice %arg6[%dma_wait3A_106, %dma_wait3A_107] : memref<10240x128xf32, #tpu.memory_space<vmem_shared>> -> memref<10240x128xf32, #tpu.memory_space<vmem_shared>>
          tpu.wait_indirect_dma semaphore(%run_scoped3A_96 : memref<!tpu.dma_semaphore, #tpu.memory_space<semaphore_mem>>) src(%arg10 : memref<80x128xf32, #tpu.memory_space<vmem>>) dst(%dma_wait3A_108 : memref<10240x128xf32, #tpu.memory_space<vmem_shared>>)
          tpu.yield
        }) : () -> ()
      }
      %scan3A_50 = arith.constant 12 : i32
      %dma_wait3A = arith.constant 24 : i32
      %dma_wait3A_51 = arith.constant 0 : i32
      %dma_wait3A_52 = tpu.memref_slice %arg7[%dma_wait3A, %dma_wait3A_51] : memref<25x80xi32, #tpu.memory_space<vmem>> -> memref<1x80xi32, #tpu.memory_space<vmem>>
      %dma_wait3A_53 = tpu.memref_squeeze %dma_wait3A_52 : memref<1x80xi32, #tpu.memory_space<vmem>> -> memref<80xi32, #tpu.memory_space<vmem>>
      %dma_wait3A_54 = arith.constant 0 : i32
      %dma_wait3A_55 = arith.constant 0 : i32
      %dma_wait3A_56 = tpu.memref_slice %arg2[%dma_wait3A_54, %dma_wait3A_55] : memref<10000x128xf32, #tpu.memory_space<hbm>> -> memref<10000x128xf32, #tpu.memory_space<hbm>>
      tpu.wait_indirect_dma semaphore(%arg11 : memref<!tpu.dma_semaphore, #tpu.memory_space<semaphore_mem>>) src(%dma_wait3A_56 : memref<10000x128xf32, #tpu.memory_space<hbm>>) dst(%arg9 : memref<80x128xf32, #tpu.memory_space<vmem>>)
      %run_scoped3A = arith.constant 24 : i32
      "tpu.region"() ({
        %run_scoped3A_57 = tpu.sem_alloc : memref<!tpu.dma_semaphore, #tpu.memory_space<semaphore_mem>>
        %dma_start3A_58 = arith.constant 0 : i32
        %dma_start3A_59 = tpu.memref_slice %arg8[%run_scoped3A, %dma_start3A_58] : memref<25x80xi32, #tpu.memory_space<vmem>> -> memref<1x80xi32, #tpu.memory_space<vmem>>
        %dma_start3A_60 = tpu.memref_squeeze %dma_start3A_59 : memref<1x80xi32, #tpu.memory_space<vmem>> -> memref<80xi32, #tpu.memory_space<vmem>>
        %dma_start3A_61 = arith.constant 0 : i32
        %dma_start3A_62 = arith.constant 0 : i32
        %dma_start3A_63 = tpu.memref_slice %arg6[%dma_start3A_61, %dma_start3A_62] : memref<10240x128xf32, #tpu.memory_space<vmem_shared>> -> memref<10240x128xf32, #tpu.memory_space<vmem_shared>>
        tpu.enqueue_indirect_dma source(%arg9 : memref<80x128xf32, #tpu.memory_space<vmem>>) target(%dma_start3A_63 : memref<10240x128xf32, #tpu.memory_space<vmem_shared>>) offsets(%dma_start3A_60 : memref<80xi32, #tpu.memory_space<vmem>>) semaphore(%run_scoped3A_57 : memref<!tpu.dma_semaphore, #tpu.memory_space<semaphore_mem>>) {add = true}
        %dma_wait3A_64 = arith.constant 0 : i32
        %dma_wait3A_65 = tpu.memref_slice %arg8[%run_scoped3A, %dma_wait3A_64] : memref<25x80xi32, #tpu.memory_space<vmem>> -> memref<1x80xi32, #tpu.memory_space<vmem>>
        %dma_wait3A_66 = tpu.memref_squeeze %dma_wait3A_65 : memref<1x80xi32, #tpu.memory_space<vmem>> -> memref<80xi32, #tpu.memory_space<vmem>>
        %dma_wait3A_67 = arith.constant 0 : i32
        %dma_wait3A_68 = arith.constant 0 : i32
        %dma_wait3A_69 = tpu.memref_slice %arg6[%dma_wait3A_67, %dma_wait3A_68] : memref<10240x128xf32, #tpu.memory_space<vmem_shared>> -> memref<10240x128xf32, #tpu.memory_space<vmem_shared>>
        tpu.wait_indirect_dma semaphore(%run_scoped3A_57 : memref<!tpu.dma_semaphore, #tpu.memory_space<semaphore_mem>>) src(%arg9 : memref<80x128xf32, #tpu.memory_space<vmem>>) dst(%dma_wait3A_69 : memref<10240x128xf32, #tpu.memory_space<vmem_shared>>)
        tpu.yield
      }) : () -> ()
    }
    %scan3A_19 = arith.constant 5 : i32
    %barrier3A_20 = arith.constant 0 : index
    tpu.barrier barrier_id(%barrier3A_20)
    %mul3A_21 = arith.constant 10240 : i32
    %mul3A_22 = arith.muli %arg0, %mul3A_21 : i32
    %add3A_23 = arith.addi %mul3A_22, %mul3A_8 : i32
    %scan3A_24 = arith.constant 0 : i32
    %scan3A_25 = arith.constant 0 : i32
    %scan3A_26 = arith.constant 8 : i32
    %scan3A_27 = arith.addi %scan3A_25, %scan3A_26 : i32
    %scan3A_28 = arith.constant 1 : i32
    scf.for %scan3A_30 = %scan3A_25 to %scan3A_27 step %scan3A_28  : i32 {
      %mul3A_31 = arith.constant 80 : i32
      %mul3A_32 = arith.muli %scan3A_30, %mul3A_31 : i32
      %add3A_33 = arith.addi %mul3A_8, %mul3A_32 : i32
      %multiple_of3A = tpu.assume_multiple %add3A_33, 8 : i32
      %mul3A_34 = arith.constant 80 : i32
      %mul3A_35 = arith.muli %scan3A_30, %mul3A_34 : i32
      %add3A_36 = arith.addi %add3A_23, %mul3A_35 : i32
      %multiple_of3A_37 = tpu.assume_multiple %add3A_36, 8 : i32
      "tpu.region"() ({
        %run_scoped3A = tpu.sem_alloc : memref<!tpu.dma_semaphore, #tpu.memory_space<semaphore_mem>>
        %dma_start3A = arith.constant 0 : i32
        %dma_start3A_38 = tpu.memref_slice %arg6[%multiple_of3A, %dma_start3A] : memref<10240x128xf32, #tpu.memory_space<vmem_shared>> -> memref<80x128xf32, #tpu.memory_space<vmem_shared>>
        %dma_start3A_39 = arith.constant 0 : i32
        %dma_start3A_40 = tpu.memref_slice %arg6[%multiple_of3A, %dma_start3A_39] : memref<10240x128xf32, #tpu.memory_space<vmem_shared>> -> memref<80x128xf32, #tpu.memory_space<vmem_shared>>
        tpu.enqueue_dma source(%dma_start3A_40 : memref<80x128xf32, #tpu.memory_space<vmem_shared>>) target(%arg9 : memref<80x128xf32, #tpu.memory_space<vmem>>) target_semaphore(%run_scoped3A : memref<!tpu.dma_semaphore, #tpu.memory_space<semaphore_mem>>)
        %dma_wait3A = arith.constant 0 : i32
        %dma_wait3A_41 = tpu.memref_slice %arg6[%multiple_of3A, %dma_wait3A] : memref<10240x128xf32, #tpu.memory_space<vmem_shared>> -> memref<80x128xf32, #tpu.memory_space<vmem_shared>>
        %dma_wait3A_42 = arith.constant 0 : i32
        %dma_wait3A_43 = tpu.memref_slice %arg6[%multiple_of3A, %dma_wait3A_42] : memref<10240x128xf32, #tpu.memory_space<vmem_shared>> -> memref<80x128xf32, #tpu.memory_space<vmem_shared>>
        tpu.wait_dma2 semaphore(%run_scoped3A : memref<!tpu.dma_semaphore, #tpu.memory_space<semaphore_mem>>) src(%dma_wait3A_43 : memref<80x128xf32, #tpu.memory_space<vmem_shared>>) dst(%arg9 : memref<80x128xf32, #tpu.memory_space<vmem>>)
        tpu.yield
      }) : () -> ()
      "tpu.region"() ({
        %run_scoped3A = tpu.sem_alloc : memref<!tpu.dma_semaphore, #tpu.memory_space<semaphore_mem>>
        %dma_start3A = arith.constant 0 : i32
        %dma_start3A_38 = tpu.memref_slice %arg5[%multiple_of3A_37, %dma_start3A] : memref<20480x128xf32, #tpu.memory_space<hbm>> -> memref<80x128xf32, #tpu.memory_space<hbm>>
        %dma_start3A_39 = arith.constant 0 : i32
        %dma_start3A_40 = tpu.memref_slice %arg5[%multiple_of3A_37, %dma_start3A_39] : memref<20480x128xf32, #tpu.memory_space<hbm>> -> memref<80x128xf32, #tpu.memory_space<hbm>>
        tpu.enqueue_dma source(%arg9 : memref<80x128xf32, #tpu.memory_space<vmem>>) target(%dma_start3A_40 : memref<80x128xf32, #tpu.memory_space<hbm>>) target_semaphore(%run_scoped3A : memref<!tpu.dma_semaphore, #tpu.memory_space<semaphore_mem>>)
        %dma_wait3A = arith.constant 0 : i32
        %dma_wait3A_41 = tpu.memref_slice %arg5[%multiple_of3A_37, %dma_wait3A] : memref<20480x128xf32, #tpu.memory_space<hbm>> -> memref<80x128xf32, #tpu.memory_space<hbm>>
        %dma_wait3A_42 = arith.constant 0 : i32
        %dma_wait3A_43 = tpu.memref_slice %arg5[%multiple_of3A_37, %dma_wait3A_42] : memref<20480x128xf32, #tpu.memory_space<hbm>> -> memref<80x128xf32, #tpu.memory_space<hbm>>
        tpu.wait_dma2 semaphore(%run_scoped3A : memref<!tpu.dma_semaphore, #tpu.memory_space<semaphore_mem>>) src(%arg9 : memref<80x128xf32, #tpu.memory_space<vmem>>) dst(%dma_wait3A_43 : memref<80x128xf32, #tpu.memory_space<hbm>>)
        tpu.yield
      }) : () -> ()
    }
    %scan3A_29 = arith.constant 8 : i32
    return
  }
}

module attributes {stable_mosaic.version = 14 : i64} {
  func.func @body(%arg0: i32, %arg1: memref<1000x128xf32, #tpu.memory_space<vmem>>, %arg2: memref<1000x1xf32, #tpu.memory_space<vmem>>, %arg3: memref<1000x128xf32, #tpu.memory_space<vmem>>, %arg4: memref<128x128xf32, #tpu.memory_space<vmem>>, %arg5: memref<128x128xf32, #tpu.memory_space<vmem>>, %arg6: memref<1x128xf32, #tpu.memory_space<vmem>>, %arg7: memref<1000x128xf32, #tpu.memory_space<vmem>>) attributes {dimension_semantics = [#tpu.dimension_semantics<arbitrary>], iteration_bounds = array<i64: 10>, scalar_prefetch = 0 : i64, scratch_operands = 0 : i64, tpu.core_type = #tpu.core_type<tc>, window_params = [{transform_indices = @transform_0, window_bounds = array<i64: 1000, 128>}, {transform_indices = @transform_1, window_bounds = array<i64: 1000, 1>}, {transform_indices = @transform_2, window_bounds = array<i64: 1000, 128>}, {pipeline_mode = #tpu.pipeline_mode<synchronous>, transform_indices = @transform_3, window_bounds = array<i64: 128, 128>}, {pipeline_mode = #tpu.pipeline_mode<synchronous>, transform_indices = @transform_4, window_bounds = array<i64: 128, 128>}, {pipeline_mode = #tpu.pipeline_mode<synchronous>, transform_indices = @transform_5, window_bounds = array<i64: 1, 128>}, {transform_indices = @transform_6, window_bounds = array<i64: 1000, 128>}]} {
    %get3A = arith.constant 0 : index
    %get3A_0 = arith.constant 0 : index
    %get3A_1 = vector.load %arg2[%get3A, %get3A_0] : memref<1000x1xf32, #tpu.memory_space<vmem>>, vector<1000x1xf32>
    %max3A = arith.constant 1.000000e+00 : f32
    %max3A_2 = vector.broadcast %max3A : f32 to vector<1000x1xf32>
    %max3A_3 = arith.maximumf %get3A_1, %max3A_2 : vector<1000x1xf32>
    %get3A_4 = arith.constant 0 : index
    %get3A_5 = arith.constant 0 : index
    %get3A_6 = vector.load %arg1[%get3A_4, %get3A_5] : memref<1000x128xf32, #tpu.memory_space<vmem>>, vector<1000x128xf32>
    %div3A = vector.broadcast %max3A_3 : vector<1000x1xf32> to vector<1000x128xf32>
    %div3A_7 = arith.divf %get3A_6, %div3A : vector<1000x128xf32>
    %get3A_8 = arith.constant 0 : index
    %get3A_9 = arith.constant 0 : index
    %get3A_10 = vector.load %arg4[%get3A_8, %get3A_9] : memref<128x128xf32, #tpu.memory_space<vmem>>, vector<128x128xf32>
    %dot_general3A = arith.constant dense<0.000000e+00> : vector<1000x128xf32>
    %dot_general3A_11 = tpu.matmul %div3A_7, %get3A_10, %dot_general3A {dimension_numbers = #tpu.dot_dimension_numbers<[1], [0], [0], [1], [0, 0, 1, 1], [], []>, transpose_lhs_hint = false} : vector<1000x128xf32>, vector<128x128xf32>, vector<1000x128xf32> -> vector<1000x128xf32>
    %get3A_12 = arith.constant 0 : index
    %get3A_13 = arith.constant 0 : index
    %get3A_14 = vector.load %arg3[%get3A_12, %get3A_13] : memref<1000x128xf32, #tpu.memory_space<vmem>>, vector<1000x128xf32>
    %get3A_15 = arith.constant 0 : index
    %get3A_16 = arith.constant 0 : index
    %get3A_17 = vector.load %arg5[%get3A_15, %get3A_16] : memref<128x128xf32, #tpu.memory_space<vmem>>, vector<128x128xf32>
    %dot_general3A_18 = arith.constant dense<0.000000e+00> : vector<1000x128xf32>
    %dot_general3A_19 = tpu.matmul %get3A_14, %get3A_17, %dot_general3A_18 {dimension_numbers = #tpu.dot_dimension_numbers<[1], [0], [0], [1], [0, 0, 1, 1], [], []>, transpose_lhs_hint = false} : vector<1000x128xf32>, vector<128x128xf32>, vector<1000x128xf32> -> vector<1000x128xf32>
    %add3A = arith.addf %dot_general3A_11, %dot_general3A_19 : vector<1000x128xf32>
    %get3A_20 = arith.constant 0 : index
    %get3A_21 = arith.constant 0 : index
    %get3A_22 = vector.load %arg6[%get3A_20, %get3A_21] : memref<1x128xf32, #tpu.memory_space<vmem>>, vector<1x128xf32>
    %add3A_23 = vector.broadcast %get3A_22 : vector<1x128xf32> to vector<1000x128xf32>
    %add3A_24 = arith.addf %add3A, %add3A_23 : vector<1000x128xf32>
    %max3A_25 = arith.constant 0.000000e+00 : f32
    %max3A_26 = vector.broadcast %max3A_25 : f32 to vector<1000x128xf32>
    %max3A_27 = arith.maximumf %add3A_24, %max3A_26 : vector<1000x128xf32>
    %swap3A = arith.constant 0 : index
    %swap3A_28 = arith.constant 0 : index
    %swap3A_29 = vector.load %arg7[%swap3A, %swap3A_28] : memref<1000x128xf32, #tpu.memory_space<vmem>>, vector<1000x128xf32>
    tpu.vector_store %arg7[%swap3A, %swap3A_28], %max3A_27 {strides = array<i32>} : memref<1000x128xf32, #tpu.memory_space<vmem>>, vector<1000x128xf32>,
    return
  }
  func.func @transform_0(%arg0: i32) -> (i32, i32) {
    %c0_i32 = arith.constant 0 : i32
    %c0_i32_0 = arith.constant 0 : i32
    return %arg0, %c0_i32 : i32, i32
  }
  func.func @transform_1(%arg0: i32) -> (i32, i32) {
    %c0_i32 = arith.constant 0 : i32
    %c0_i32_0 = arith.constant 0 : i32
    return %arg0, %c0_i32 : i32, i32
  }
  func.func @transform_2(%arg0: i32) -> (i32, i32) {
    %c0_i32 = arith.constant 0 : i32
    %c0_i32_0 = arith.constant 0 : i32
    return %arg0, %c0_i32 : i32, i32
  }
  func.func @transform_3(%arg0: i32) -> (i32, i32) {
    %c0_i32 = arith.constant 0 : i32
    %c0_i32_0 = arith.constant 0 : i32
    %c0_i32_1 = arith.constant 0 : i32
    return %c0_i32, %c0_i32_0 : i32, i32
  }
  func.func @transform_4(%arg0: i32) -> (i32, i32) {
    %c0_i32 = arith.constant 0 : i32
    %c0_i32_0 = arith.constant 0 : i32
    %c0_i32_1 = arith.constant 0 : i32
    return %c0_i32, %c0_i32_0 : i32, i32
  }
  func.func @transform_5(%arg0: i32) -> (i32, i32) {
    %c0_i32 = arith.constant 0 : i32
    %c0_i32_0 = arith.constant 0 : i32
    %c0_i32_1 = arith.constant 0 : i32
    return %c0_i32, %c0_i32_0 : i32, i32
  }
  func.func @transform_6(%arg0: i32) -> (i32, i32) {
    %c0_i32 = arith.constant 0 : i32
    %c0_i32_0 = arith.constant 0 : i32
    return %arg0, %c0_i32 : i32, i32
  }
}

module attributes {stable_mosaic.version = 14 : i64} {
  func.func @body(%arg0: i32, %arg1: memref<1000x128xf32, #tpu.memory_space<vmem>>, %arg2: memref<1000x1xf32, #tpu.memory_space<vmem>>, %arg3: memref<1000x128xf32, #tpu.memory_space<vmem>>, %arg4: memref<1000x128xf32, #tpu.memory_space<vmem>>, %arg5: memref<1000x128xf32, #tpu.memory_space<vmem>>, %arg6: memref<128x128xf32, #tpu.memory_space<vmem>>, %arg7: memref<128x128xf32, #tpu.memory_space<vmem>>, %arg8: memref<1x128xf32, #tpu.memory_space<vmem>>, %arg9: memref<128x128xf32, #tpu.memory_space<vmem>>, %arg10: memref<128x128xf32, #tpu.memory_space<vmem>>, %arg11: memref<1x128xf32, #tpu.memory_space<vmem>>, %arg12: memref<128x128xf32, #tpu.memory_space<vmem>>, %arg13: memref<1x128xf32, #tpu.memory_space<vmem>>, %arg14: memref<1000x128xf32, #tpu.memory_space<vmem>>) attributes {dimension_semantics = [#tpu.dimension_semantics<arbitrary>], iteration_bounds = array<i64: 10>, scalar_prefetch = 0 : i64, scratch_operands = 0 : i64, tpu.core_type = #tpu.core_type<tc>, window_params = [{transform_indices = @transform_0, window_bounds = array<i64: 1000, 128>}, {transform_indices = @transform_1, window_bounds = array<i64: 1000, 1>}, {transform_indices = @transform_2, window_bounds = array<i64: 1000, 128>}, {transform_indices = @transform_3, window_bounds = array<i64: 1000, 128>}, {transform_indices = @transform_4, window_bounds = array<i64: 1000, 128>}, {pipeline_mode = #tpu.pipeline_mode<synchronous>, transform_indices = @transform_5, window_bounds = array<i64: 128, 128>}, {pipeline_mode = #tpu.pipeline_mode<synchronous>, transform_indices = @transform_6, window_bounds = array<i64: 128, 128>}, {pipeline_mode = #tpu.pipeline_mode<synchronous>, transform_indices = @transform_7, window_bounds = array<i64: 1, 128>}, {pipeline_mode = #tpu.pipeline_mode<synchronous>, transform_indices = @transform_8, window_bounds = array<i64: 128, 128>}, {pipeline_mode = #tpu.pipeline_mode<synchronous>, transform_indices = @transform_9, window_bounds = array<i64: 128, 128>}, {pipeline_mode = #tpu.pipeline_mode<synchronous>, transform_indices = @transform_10, window_bounds = array<i64: 1, 128>}, {pipeline_mode = #tpu.pipeline_mode<synchronous>, transform_indices = @transform_11, window_bounds = array<i64: 128, 128>}, {pipeline_mode = #tpu.pipeline_mode<synchronous>, transform_indices = @transform_12, window_bounds = array<i64: 1, 128>}, {transform_indices = @transform_13, window_bounds = array<i64: 1000, 128>}]} {
    %get3A = arith.constant 0 : index
    %get3A_0 = arith.constant 0 : index
    %get3A_1 = vector.load %arg2[%get3A, %get3A_0] : memref<1000x1xf32, #tpu.memory_space<vmem>>, vector<1000x1xf32>
    %max3A = arith.constant 1.000000e+00 : f32
    %max3A_2 = vector.broadcast %max3A : f32 to vector<1000x1xf32>
    %max3A_3 = arith.maximumf %get3A_1, %max3A_2 : vector<1000x1xf32>
    %get3A_4 = arith.constant 0 : index
    %get3A_5 = arith.constant 0 : index
    %get3A_6 = vector.load %arg1[%get3A_4, %get3A_5] : memref<1000x128xf32, #tpu.memory_space<vmem>>, vector<1000x128xf32>
    %div3A = vector.broadcast %max3A_3 : vector<1000x1xf32> to vector<1000x128xf32>
    %div3A_7 = arith.divf %get3A_6, %div3A : vector<1000x128xf32>
    %get3A_8 = arith.constant 0 : index
    %get3A_9 = arith.constant 0 : index
    %get3A_10 = vector.load %arg6[%get3A_8, %get3A_9] : memref<128x128xf32, #tpu.memory_space<vmem>>, vector<128x128xf32>
    %dot_general3A = arith.constant dense<0.000000e+00> : vector<1000x128xf32>
    %dot_general3A_11 = tpu.matmul %div3A_7, %get3A_10, %dot_general3A {dimension_numbers = #tpu.dot_dimension_numbers<[1], [0], [0], [1], [0, 0, 1, 1], [], []>, transpose_lhs_hint = false} : vector<1000x128xf32>, vector<128x128xf32>, vector<1000x128xf32> -> vector<1000x128xf32>
    %get3A_12 = arith.constant 0 : index
    %get3A_13 = arith.constant 0 : index
    %get3A_14 = vector.load %arg3[%get3A_12, %get3A_13] : memref<1000x128xf32, #tpu.memory_space<vmem>>, vector<1000x128xf32>
    %get3A_15 = arith.constant 0 : index
    %get3A_16 = arith.constant 0 : index
    %get3A_17 = vector.load %arg7[%get3A_15, %get3A_16] : memref<128x128xf32, #tpu.memory_space<vmem>>, vector<128x128xf32>
    %dot_general3A_18 = arith.constant dense<0.000000e+00> : vector<1000x128xf32>
    %dot_general3A_19 = tpu.matmul %get3A_14, %get3A_17, %dot_general3A_18 {dimension_numbers = #tpu.dot_dimension_numbers<[1], [0], [0], [1], [0, 0, 1, 1], [], []>, transpose_lhs_hint = false} : vector<1000x128xf32>, vector<128x128xf32>, vector<1000x128xf32> -> vector<1000x128xf32>
    %add3A = arith.addf %dot_general3A_11, %dot_general3A_19 : vector<1000x128xf32>
    %get3A_20 = arith.constant 0 : index
    %get3A_21 = arith.constant 0 : index
    %get3A_22 = vector.load %arg8[%get3A_20, %get3A_21] : memref<1x128xf32, #tpu.memory_space<vmem>>, vector<1x128xf32>
    %add3A_23 = vector.broadcast %get3A_22 : vector<1x128xf32> to vector<1000x128xf32>
    %add3A_24 = arith.addf %add3A, %add3A_23 : vector<1000x128xf32>
    %max3A_25 = arith.constant 0.000000e+00 : f32
    %max3A_26 = vector.broadcast %max3A_25 : f32 to vector<1000x128xf32>
    %max3A_27 = arith.maximumf %add3A_24, %max3A_26 : vector<1000x128xf32>
    %get3A_28 = arith.constant 0 : index
    %get3A_29 = arith.constant 0 : index
    %get3A_30 = vector.load %arg4[%get3A_28, %get3A_29] : memref<1000x128xf32, #tpu.memory_space<vmem>>, vector<1000x128xf32>
    %get3A_31 = arith.constant 0 : index
    %get3A_32 = arith.constant 0 : index
    %get3A_33 = vector.load %arg5[%get3A_31, %get3A_32] : memref<1000x128xf32, #tpu.memory_space<vmem>>, vector<1000x128xf32>
    %add3A_34 = arith.addf %get3A_30, %get3A_33 : vector<1000x128xf32>
    %div3A_35 = vector.broadcast %max3A_3 : vector<1000x1xf32> to vector<1000x128xf32>
    %div3A_36 = arith.divf %add3A_34, %div3A_35 : vector<1000x128xf32>
    %get3A_37 = arith.constant 0 : index
    %get3A_38 = arith.constant 0 : index
    %get3A_39 = vector.load %arg9[%get3A_37, %get3A_38] : memref<128x128xf32, #tpu.memory_space<vmem>>, vector<128x128xf32>
    %dot_general3A_40 = arith.constant dense<0.000000e+00> : vector<1000x128xf32>
    %dot_general3A_41 = tpu.matmul %div3A_36, %get3A_39, %dot_general3A_40 {dimension_numbers = #tpu.dot_dimension_numbers<[1], [0], [0], [1], [0, 0, 1, 1], [], []>, transpose_lhs_hint = false} : vector<1000x128xf32>, vector<128x128xf32>, vector<1000x128xf32> -> vector<1000x128xf32>
    %get3A_42 = arith.constant 0 : index
    %get3A_43 = arith.constant 0 : index
    %get3A_44 = vector.load %arg10[%get3A_42, %get3A_43] : memref<128x128xf32, #tpu.memory_space<vmem>>, vector<128x128xf32>
    %dot_general3A_45 = arith.constant dense<0.000000e+00> : vector<1000x128xf32>
    %dot_general3A_46 = tpu.matmul %max3A_27, %get3A_44, %dot_general3A_45 {dimension_numbers = #tpu.dot_dimension_numbers<[1], [0], [0], [1], [0, 0, 1, 1], [], []>, transpose_lhs_hint = false} : vector<1000x128xf32>, vector<128x128xf32>, vector<1000x128xf32> -> vector<1000x128xf32>
    %add3A_47 = arith.addf %dot_general3A_41, %dot_general3A_46 : vector<1000x128xf32>
    %get3A_48 = arith.constant 0 : index
    %get3A_49 = arith.constant 0 : index
    %get3A_50 = vector.load %arg11[%get3A_48, %get3A_49] : memref<1x128xf32, #tpu.memory_space<vmem>>, vector<1x128xf32>
    %add3A_51 = vector.broadcast %get3A_50 : vector<1x128xf32> to vector<1000x128xf32>
    %add3A_52 = arith.addf %add3A_47, %add3A_51 : vector<1000x128xf32>
    %max3A_53 = arith.constant 0.000000e+00 : f32
    %max3A_54 = vector.broadcast %max3A_53 : f32 to vector<1000x128xf32>
    %max3A_55 = arith.maximumf %add3A_52, %max3A_54 : vector<1000x128xf32>
    %get3A_56 = arith.constant 0 : index
    %get3A_57 = arith.constant 0 : index
    %get3A_58 = vector.load %arg12[%get3A_56, %get3A_57] : memref<128x128xf32, #tpu.memory_space<vmem>>, vector<128x128xf32>
    %dot_general3A_59 = arith.constant dense<0.000000e+00> : vector<1000x128xf32>
    %dot_general3A_60 = tpu.matmul %max3A_55, %get3A_58, %dot_general3A_59 {dimension_numbers = #tpu.dot_dimension_numbers<[1], [0], [0], [1], [0, 0, 1, 1], [], []>, transpose_lhs_hint = false} : vector<1000x128xf32>, vector<128x128xf32>, vector<1000x128xf32> -> vector<1000x128xf32>
    %get3A_61 = arith.constant 0 : index
    %get3A_62 = arith.constant 0 : index
    %get3A_63 = vector.load %arg13[%get3A_61, %get3A_62] : memref<1x128xf32, #tpu.memory_space<vmem>>, vector<1x128xf32>
    %add3A_64 = vector.broadcast %get3A_63 : vector<1x128xf32> to vector<1000x128xf32>
    %add3A_65 = arith.addf %dot_general3A_60, %add3A_64 : vector<1000x128xf32>
    %swap3A = arith.constant 0 : index
    %swap3A_66 = arith.constant 0 : index
    %swap3A_67 = vector.load %arg14[%swap3A, %swap3A_66] : memref<1000x128xf32, #tpu.memory_space<vmem>>, vector<1000x128xf32>
    tpu.vector_store %arg14[%swap3A, %swap3A_66], %add3A_65 {strides = array<i32>} : memref<1000x128xf32, #tpu.memory_space<vmem>>, vector<1000x128xf32>,
    return
  }
  func.func @transform_0(%arg0: i32) -> (i32, i32) {
    %c0_i32 = arith.constant 0 : i32
    %c0_i32_0 = arith.constant 0 : i32
    return %arg0, %c0_i32 : i32, i32
  }
  func.func @transform_1(%arg0: i32) -> (i32, i32) {
    %c0_i32 = arith.constant 0 : i32
    %c0_i32_0 = arith.constant 0 : i32
    return %arg0, %c0_i32 : i32, i32
  }
  func.func @transform_2(%arg0: i32) -> (i32, i32) {
    %c0_i32 = arith.constant 0 : i32
    %c0_i32_0 = arith.constant 0 : i32
    return %arg0, %c0_i32 : i32, i32
  }
  func.func @transform_3(%arg0: i32) -> (i32, i32) {
    %c0_i32 = arith.constant 0 : i32
    %c0_i32_0 = arith.constant 0 : i32
    return %arg0, %c0_i32 : i32, i32
  }
  func.func @transform_4(%arg0: i32) -> (i32, i32) {
    %c0_i32 = arith.constant 0 : i32
    %c0_i32_0 = arith.constant 0 : i32
    return %arg0, %c0_i32 : i32, i32
  }
  func.func @transform_5(%arg0: i32) -> (i32, i32) {
    %c0_i32 = arith.constant 0 : i32
    %c0_i32_0 = arith.constant 0 : i32
    %c0_i32_1 = arith.constant 0 : i32
    return %c0_i32, %c0_i32_0 : i32, i32
  }
  func.func @transform_6(%arg0: i32) -> (i32, i32) {
    %c0_i32 = arith.constant 0 : i32
    %c0_i32_0 = arith.constant 0 : i32
    %c0_i32_1 = arith.constant 0 : i32
    return %c0_i32, %c0_i32_0 : i32, i32
  }
  func.func @transform_7(%arg0: i32) -> (i32, i32) {
    %c0_i32 = arith.constant 0 : i32
    %c0_i32_0 = arith.constant 0 : i32
    %c0_i32_1 = arith.constant 0 : i32
    return %c0_i32, %c0_i32_0 : i32, i32
  }
  func.func @transform_8(%arg0: i32) -> (i32, i32) {
    %c0_i32 = arith.constant 0 : i32
    %c0_i32_0 = arith.constant 0 : i32
    %c0_i32_1 = arith.constant 0 : i32
    return %c0_i32, %c0_i32_0 : i32, i32
  }
  func.func @transform_9(%arg0: i32) -> (i32, i32) {
    %c0_i32 = arith.constant 0 : i32
    %c0_i32_0 = arith.constant 0 : i32
    %c0_i32_1 = arith.constant 0 : i32
    return %c0_i32, %c0_i32_0 : i32, i32
  }
  func.func @transform_10(%arg0: i32) -> (i32, i32) {
    %c0_i32 = arith.constant 0 : i32
    %c0_i32_0 = arith.constant 0 : i32
    %c0_i32_1 = arith.constant 0 : i32
    return %c0_i32, %c0_i32_0 : i32, i32
  }
  func.func @transform_11(%arg0: i32) -> (i32, i32) {
    %c0_i32 = arith.constant 0 : i32
    %c0_i32_0 = arith.constant 0 : i32
    %c0_i32_1 = arith.constant 0 : i32
    return %c0_i32, %c0_i32_0 : i32, i32
  }
  func.func @transform_12(%arg0: i32) -> (i32, i32) {
    %c0_i32 = arith.constant 0 : i32
    %c0_i32_0 = arith.constant 0 : i32
    %c0_i32_1 = arith.constant 0 : i32
    return %c0_i32, %c0_i32_0 : i32, i32
  }
  func.func @transform_13(%arg0: i32) -> (i32, i32) {
    %c0_i32 = arith.constant 0 : i32
    %c0_i32_0 = arith.constant 0 : i32
    return %arg0, %c0_i32 : i32, i32
  }
}

</mosaic_0001>

<sc_bundles>
// kernel: kernel.6.cloned.1.call-start
scs
__scs_entry_jumppad:
0x0: {  	(pc) =	sbr.rel $0x88, $3  }
0x1: {  	(tag) =	ssettag $0x0;
	lr =	simm.s32 $0x1  }
0x2: {  	[smem:$0x3F92] =	sst lr;
	_ =	strace $0xD0000000  }
0x3: {  	_ = 	snop  }
0x4: {  	_ = 	snop  }
0x5: {  	_ = 	snop  }
0x6: {  	_ = 	snop  }
0x7: {  	_ = 	snop  }
__scs_overlays_trampoline_lowered:
0x8: {  	[smem:$0x3FA1] =	sst s0  }
0x9: {  	[smem:$0x3FA2] =	sst s1  }
0xa: {  	[smem:$0x3FA3] =	sst s2  }
0xb: {  	[smem:$0x3FA4] =	sst s3  }
0xc: {  	[smem:$0x3FA5] =	sst s4  }
0xd: {  	[smem:$0x3FA6] =	sst s5  }
0xe: {  	[smem:$0x3FA7] =	sst s6  }
0xf: {  	[smem:$0x3FA8] =	sst s7  }
0x10: {  	[smem:$0x3FA9] =	sst s8  }
0x11: {  	[smem:$0x3FAA] =	sst s9;
	s0 =	simm.s32 @!p0 $0x0  }
0x12: {  	s1 =	sld [smem:$0x3F90];
	s0 =	simm.s32 @p0 $0x1  }
0x13: {  	[smem:$0x3FAB] =	sst s0;
	s0 =	simm.s32 @!p1 $0x0  }
0x14: {  	s2 =	sld [smem:$0x3F8F];
	s0 =	simm.s32 @p1 $0x1  }
0x15: {  	[smem:$0x3FAC] =	sst s0;
	s0 =	simm.s32 @!p2 $0x0  }
0x16: {  	s3 =	sld [smem:$0x3FDB];
	s0 =	simm.s32 @p2 $0x1  }
0x17: {  	s4 =	simm.s32 $0x1BF5;
	[smem:$0x3FAE] =	sst s0  }
0x18: {  	s0 =	sld [smem:$0x3F91];
	_ =	swait.ge [sflag:s4], $0x0  }
0x19: {  	s7 =	sld [smem:$0x3F92]  }
0x1a: {  	s8 =	sadd.s32 $0xFFFFE003, lr  }
0x1b: {  	s9 =	sadd.s32 $0xFFFFFEF7, lr;
	s5 =	simm.s32 $0xFFFFFFFF;
	p2 =	slt.u32 s8, $0xFFFFF086  }
0x1c: {  	p1 =	slt.u32 s9, $0xF7A;
	s5 =	simm.s32 @!p2 $0x0  }
0x1d: {  	s5 =	simm.s32 @p1 $0x1;
	p0 =	seq.s32 s7, s2  }
0x1e: {  	s7 =	smul.u32 @!p0 $0xF7A, s2;
	p2 =	seq.s32 @!p0 s5, $0x0  }
0x1f: {  	s9 =	smul.u32 $0xF7A, s1;
	s8 =	simm.s32 @!p0 $0x1BF5;
	p2 =	por !p2, p0  }
0x20: {  	[sflag:s8] =	ssyncset.s32 @!p0 $0xFFFFF086;
	s6 =	sadd.s32 @!p0 s3, s7;
	s7 =	simm.s32 @!p0 $0x108  }
0x21: {  	s3 =	sadd.s32 s3, s9;
	s6 =	sadd.s32 @!p0 $0x88, s6;
	s7 =	simm.s32 @p2 $0x1082  }
0x22: {  	[simem:s7], [sflag:s8] =	dma.local @!p0 [hbm:s6], $0xF7A  }
0x23: {  	s9 =	sor.u32 $0xD0000000, s2;
	s6 =	simm.s32 $0x108;
	_ =	swait.ge @!p0 [sflag:s8], $0x0  }
0x24: {  	s3 =	sadd.s32 $0x88, s3;
	s6 =	simm.s32 @!p1 $0x1082;
	[sflag:s4] =	ssyncset.s32 $0xFFFFF086  }
0x25: {  	[simem:s6], [sflag:s4] =	dma.local [hbm:s3], $0xF7A  }
0x26: {  	[smem:$0x3F92] =	sst s1;
	(tag) =	ssettag s2;
	_ =	strace s9  }
0x27: {  	s1 =	sld [smem:$0x3FA2]  }
0x28: {  	s2 =	sld [smem:$0x3FA3]  }
0x29: {  	s4 =	sld [smem:$0x3FA5]  }
0x2a: {  	p0 =	seq.s32 s5, $0x0;
	s5 =	sld [smem:$0x3FA6]  }
0x2b: {  	s6 =	sld [smem:$0x3FA7]  }
0x2c: {  	s7 =	sld [smem:$0x3FA8]  }
0x2d: {  	s3 =	simm.s32 $0x108;
	s8 =	sld [smem:$0x3FA9]  }
0x2e: {  	s3 =	simm.s32 @!p0 $0x1082;
	s9 =	sld [smem:$0x3FAA]  }
0x2f: {  	lr =	sadd.s32 s0, s3;
	s0 =	sld [smem:$0x3FA1]  }
0x30: {  	s3 =	sld [smem:$0x3FA4]  }
0x31: {  	[smem:$0x3FAD] =	sst s10  }
0x32: {  	s10 =	sld [smem:$0x3FAB];
	_ =	sdelay $0x3  }
0x33: {  	p0 =	seq.s32 s10, $0x1;
	s10 =	sld [smem:$0x3FAD];
	_ =	sdelay $0x3  }
0x34: {  	[smem:$0x3FAD] =	sst s10  }
0x35: {  	s10 =	sld [smem:$0x3FAC];
	_ =	sdelay $0x3  }
0x36: {  	p1 =	seq.s32 s10, $0x1;
	s10 =	sld [smem:$0x3FAD];
	_ =	sdelay $0x3  }
0x37: {  	[smem:$0x3FAD] =	sst s10  }
0x38: {  	s10 =	sld [smem:$0x3FAE]  }
0x39: {  	_ = 	snop;
	(pc) =	sbr.ind lr, $3  }
0x3a: {  	_ = 	snop  }
0x3b: {  	_ = 	snop  }
0x3c: {  	p2 =	seq.s32 s10, $0x1;
	s10 =	sld [smem:$0x3FAD]  }
0x3d: {  	_ =	shalt  }
0x3e: {  	_ =	shalt  }
0x3f: {  	_ =	shalt  }
0x40: {  	_ =	shalt  }
0x41: {  	_ =	shalt  }
0x42: {  	_ =	shalt  }
0x43: {  	_ =	shalt  }
0x44: {  	_ =	shalt  }
0x45: {  	_ =	shalt  }
0x46: {  	_ =	shalt  }
0x47: {  	_ =	shalt  }
0x48: {  	_ =	shalt  }
0x49: {  	_ =	shalt  }
0x4a: {  	_ =	shalt  }
0x4b: {  	_ =	shalt  }
0x4c: {  	_ =	shalt  }
0x4d: {  	_ =	shalt  }
0x4e: {  	_ =	shalt  }
0x4f: {  	_ =	shalt  }
0x50: {  	_ =	shalt  }
0x51: {  	_ =	shalt  }
0x52: {  	_ =	shalt  }
0x53: {  	_ =	shalt  }
0x54: {  	_ =	shalt  }
0x55: {  	_ =	shalt  }
0x56: {  	_ =	shalt  }
0x57: {  	_ =	shalt  }
0x58: {  	_ =	shalt  }
0x59: {  	_ =	shalt  }
0x5a: {  	_ =	shalt  }
0x5b: {  	_ =	shalt  }
0x5c: {  	_ =	shalt  }
0x5d: {  	_ =	shalt  }
0x5e: {  	_ =	shalt  }
0x5f: {  	_ =	shalt  }
0x60: {  	_ =	shalt  }
0x61: {  	_ =	shalt  }
0x62: {  	_ =	shalt  }
0x63: {  	_ =	shalt  }
0x64: {  	_ =	shalt  }
0x65: {  	_ =	shalt  }
0x66: {  	_ =	shalt  }
0x67: {  	_ =	shalt  }
0x68: {  	_ =	shalt  }
0x69: {  	_ =	shalt  }
0x6a: {  	_ =	shalt  }
0x6b: {  	_ =	shalt  }
0x6c: {  	_ =	shalt  }
0x6d: {  	_ =	shalt  }
0x6e: {  	_ =	shalt  }
0x6f: {  	_ =	shalt  }
0x70: {  	_ =	shalt  }
0x71: {  	_ =	shalt  }
0x72: {  	_ =	shalt  }
0x73: {  	_ =	shalt  }
0x74: {  	_ =	shalt  }
0x75: {  	_ =	shalt  }
0x76: {  	_ =	shalt  }
0x77: {  	_ =	shalt  }
0x78: {  	_ =	shalt  }
0x79: {  	_ =	shalt  }
0x7a: {  	_ =	shalt  }
0x7b: {  	_ =	shalt  }
0x7c: {  	_ =	shalt  }
0x7d: {  	_ =	shalt  }
0x7e: {  	_ =	shalt  }
0x7f: {  	_ =	shalt  }
0x80: {  	_ =	shalt  }
0x81: {  	_ =	shalt  }
0x82: {  	_ =	shalt  }
0x83: {  	_ =	shalt  }
0x84: {  	_ =	shalt  }
0x85: {  	_ =	shalt  }
0x86: {  	_ =	shalt  }
0x87: {  	_ =	shalt  }
.Lfunc_end0:
.L_simem_size_0:
called_computation_lowered:
.L_overlay_start_0:
0x88: {  	s2 =	sld [smem:$0x3FD9]  }
0x89: {  	s3 =	sld [smem:$0x3FFE];
	_ =	sdelay $0x1  }
0x8a: {  	s1 =	srdreg.scid  }
0x8b: {  	s0 =	sand.u32 $0x1, s1  }
0x8c: {  	s17 =	sshll.u32 s0, $0xA;
	s2 =	sadd.s32 s3, s2  }
0x8d: {  	s2 =	sadd.s32 s2, s17  }
0x8e: {  	[smem:$0x3FB9] =	sst s2  }
0x8f: {  	_ = 	snop  }
0x90: {  	s2 =	sld [smem:$0x3FC9]  }
0x91: {  	s18 =	sld [smem:$0x3FD0];
	(tm) =	ssettm $0x1  }
0x92: {  	s4 =	sld [smem:$0x3FFB];
	_ =	sdelay $0x3  }
0x93: {  	_ =	strace s4  }
0x94: {  	s4 =	sld [smem:$0x3FFC];
	_ =	sdelay $0x3  }
0x95: {  	_ =	strace s4  }
0x96: {  	s4 =	sld [smem:$0x3FFD];
	_ =	sdelay $0x3  }
0x97: {  	_ =	strace s4  }
0x98: {  	_ =	strace $0x8FFFFFFF  }
0x99: {  	s19 =	sld [smem:$0x3FDB];
	_ =	sdelay $0x1  }
0x9a: {  	s5 =	simm.s32 $_scs_section_size  }
0x9b: {  	s6 =	simm.s32 $_size__tile_overlayer_lowered;
	s7 =	simm.s32 $_tile_overlayer_lowered  }
0x9c: {  	s22 =	simm.s32 $0x1BFF;
	s21 =	sshll.u32 s7, $0x1;
	s4 =	sadd.s32 s5, s19  }
0x9d: {  	s8 =	simm.s32 $0x0;
	s20 =	sshll.u32 s6, $0x1;
	s6 =	sadd.s32 s21, s4  }
0x9e: {  	[timem:s8], [sflag:s22] =	dma.local [hbm:s6], s20  }
0x9f: {  	_ =	swait.ge [sflag:s22], s20  }
0xa0: {  	s5 =	ssub.s32 $0x0, s20;
	[sflag:s22] =	ssyncset.done $0x0  }
0xa1: {  	[sflag:s22] =	ssyncadd.s32 s5;
	_ =	sdelay $0x1  }
0xa2: {  	s23 =	simm.s32 $0x1B8B  }
0xa3: {  	_ =	swait.ge [sflag:s23], $0x1  }
0xa4: {  	[sflag:s23] =	ssyncset.done $0x0  }
0xa5: {  	s25 =	simm.s32 $0x1B8E;
	s24 =	sld [smem:$0x3FFE];
	[sflag:s23] =	ssyncadd.s32 $0xFFFFFFFF  }
0xa6: {  	s26 =	simm.s32 $execute0_lowered;
	[smem:$0x3FD2] =	sst s25  }
0xa7: {  	s6 =	sshll.u32 s26, $0x1;
	_ =	strace $0x80000046;
	[dreg:$0x1] =	wrdreg $0xFFFFFFFF  }
0xa8: {  	s28 =	simm.s32 $_size_execute0_lowered;
	s4 =	sadd.s32 s4, s6;
	[dreg:$0x0] =	wrdreg $0x0  }
0xa9: {  	s6 =	sshll.u32 s28, $0x1;
	[dreg:$0x2] =	wrdreg s4  }
0xaa: {  	[dreg:$0x3] =	wrdreg s6  }
0xab: {  	[dreg:$0x4] =	wrdreg $0xC0  }
0xac: {  	_ =	task [dreg:s8], $0x5FFFF  }
0xad: {  	[dreg:$0x1] =	wrdreg $0xFFFFFFFF  }
0xae: {  	[dreg:$0x0] =	wrdreg $0x60  }
0xaf: {  	[dreg:$0x2] =	wrdreg s2  }
0xb0: {  	[dreg:$0x3] =	wrdreg s24  }
0xb1: {  	[dreg:$0x4] =	wrdreg s18  }
0xb2: {  	[dreg:$0x5] =	wrdreg $0x0  }
0xb3: {  	[dreg:$0x6] =	wrdreg $0x140000  }
0xb4: {  	[dreg:$0x7] =	wrdreg $0x9  }
0xb5: {  	_ =	task.clear_ibuf [dreg:s8], $0x8FFFF;
	_ =	strace $0x90000046  }
0xb6: {  	s29 =	simm.s32 $0x9;
	_ =	strace $0x80000048  }
0xb7: {  	_ =	swait.ge [sflag:s29], $0x1  }
0xb8: {  	[sflag:s29] =	ssyncadd.s32 $0xFFFFFFFF  }
0xb9: {  	_ =	strace $0x90000048  }
0xba: {  	_ =	sfence  }
0xbb: {  	s30 =	sld [smem:$0x0];
	_ =	sdelay $0x2  }
0xbc: {  	s31 =	sshll.u32 s1, $0xD;
	s1 =	sshrl.u32 s1, $0x2  }
0xbd: {  	s3 =	sand.u32 $0x4000, s31;
	s1 =	sadd.s32 s1, s30  }
0xbe: {  	s0 =	sor.u32 s3, s0;
	s1 =	sshll.u32 s1, $0x11  }
0xbf: {  	s0 =	sor.u32 s1, s0  }
0xc0: {  	s0 =	sadd.s32 $0x8F2B, s0  }
0xc1: {  	[sflag:s0] =	ssyncadd.remote.s32 $0x1  }
0xc2: {  	_ =	sfence.sel $0xFFFF  }
0xc3: {  	[dreg:$0x0] =	wrdreg $0xFFFFFFFF;
	(pc) =	sbr.abs _section_cstart, $3  }
0xc4: {  	[dreg:$0x1] =	wrdreg $0xFFFFFFFF  }
0xc5: {  	_ =	task.clear_ibuf [dreg:s8], $0x2FFFF;
	_ =	strace $0x9FFFFFFF  }
0xc6: {  	(tm) =	ssettm $0x7FFFFFFF  }
0xc7: {  	_ =	shalt  }
tec
execute0_lowered:
.L_overlay_start_1:
0x0: {  	(tag) =	ssettag $0x1  }
0x1: {  	s1 =	rddreg [dreg:$0x0]  }
0x2: {  	s0 =	rddreg [dreg:$0x1]  }
0x3: {  	s2 =	rddreg [dreg:$0x2];
	s4 =	srdreg.scid  }
0x4: {  	s14 =	stileid.u32;
	s3 =	rddreg [dreg:$0x3];
	s5 =	simm.s32 $0x0  }
0x5: {  	s8 =	sand.u32 $0x1, s4;
	s9 =	smul.u32 $0x280, s14;
	s4 =	rddreg [dreg:$0x4]  }
0x6: {  	[smem:$0x7FF] =	sst s5;
	s13 =	smul.u32 $0x50000, s14  }
0x7: {  	s7 =	sadd.s32 $0x53200, s0;
	s6 =	smul.u32 $0x2800, s8;
	s25 =	ssub.s32 $0x2, s8  }
0x8: {  	_ =	strace $0x80000047;
	s8 =	sshll.u32 s8, $0x4;
	s12 =	sshrl.u32 s25, $0x1  }
0x9: {  	s26 =	sor.u32 s14, s8;
	s13 =	sshrl.u32 s13, $0x2;
	s10 =	sadd.s32 s9, s6  }
0xa: {  	s6 =	sadd.s32 $0x2B200, s0;
	s12 =	ssub.s32 s25, s12;
	s11 =	sshll.u32 s10, $0x4  }
0xb: {  	s10 =	sshrl.u32 s10, $0x3;
	s14 =	smax.u32 s12, $0x1;
	s0 =	sadd.s32 s11, s0  }
0xc: {  	s2 =	sadd.s32 s2, s10;
	s11 =	sadd.s32 s13, s3;
	[dreg:$0x7] =	wrdreg s14  }
0xd: {  	[dreg:$0x6] =	wrdreg s2;
	s15 =	sadd.s32 $0xA000, s11  }
0xe: {  	s16 =	sadd.s32 $0xC800, s11;
	[dreg:$0x8] =	wrdreg s15  }
0xf: {  	s17 =	sadd.s32 $0x7B200, s0;
	[dreg:$0x9] =	wrdreg s16  }
0x10: {  	s29 =	simm.s32 $0x16280;
	s18 =	sadd.s32 $0x7B700, s0;
	[dreg:$0xa] =	wrdreg s17  }
0x11: {  	s30 =	simm.s32 $0x3;
	s19 =	sadd.s32 $0x7BC00, s0;
	[dreg:$0xb] =	wrdreg s18  }
0x12: {  	s28 =	simm.s32 $0x1B280;
	s20 =	sadd.s32 $0x7C100, s0;
	[dreg:$0xc] =	wrdreg s19  }
0x13: {  	s8 =	sadd.s32 s9, s4;
	s21 =	sadd.s32 $0x7C600, s0;
	[dreg:$0xd] =	wrdreg s20  }
0x14: {  	s9 =	smul.u32 $0xA, s26;
	s22 =	sadd.s32 $0x7CB00, s0;
	[dreg:$0xe] =	wrdreg s21  }
0x15: {  	s12 =	simm.s32 $0x18A80;
	s23 =	sadd.s32 $0x7D000, s0;
	[dreg:$0xf] =	wrdreg s22  }
0x16: {  	s10 =	simm.s32 $0x50;
	s0 =	sadd.s32 $0x7D500, s0;
	[dreg:$0x10] =	wrdreg s23  }
0x17: {  	s14 =	sadd.s32 $0x2800, s11;
	s24 =	sadd.s32 $0xF000, s11;
	[dreg:$0x11] =	wrdreg s0  }
0x18: {  	s25 =	sadd.s32 $0x5000, s11;
	s26 =	sadd.s32 $0x11800, s11;
	[dreg:$0x12] =	wrdreg s24  }
0x19: {  	s31 =	sadd.s32 $0x7800, s11;
	s2 =	simm.s32 $0x14280;
	[dreg:$0x13] =	wrdreg s26  }
0x1a: {  	s0 =	simm.s32 $0x15280;
	s18 =	simm.s32 $0x1;
	s19 =	simm.s32 $0x1B500  }
0x1b: {  	v0 =	vimm.f32 $0.0e+00;
	v1 =	vimm.f32 $1.000000000e+00;
	s20 =	simm.s32 $0x2;
	s21 =	simm.s32 $0x15E80;
	s22 =	simm.s32 $0x0  }
.LBB2_1:
0x1c: {  	s23 =	simm.s32 $0x0;
	s24 =	simm.s32 $0x200  }
.LBB2_2:
0x1d: {  	p0 =	sne.s32 s24, $0x9E00;
	[tilespmem:s23+$0x162F0] =	vst v0  }
0x1e: {  	[tilespmem:s23+$0x16280] =	vst v0  }
0x1f: {  	[tilespmem:s23+$0x16290] =	vst v0  }
.Ltmp0:
0x20: {  	[tilespmem:s23+$0x162A0] =	vst v0;
	(pc) =	sbr.rel @p0 .LBB2_2-.Ltmp0, $4  }
0x21: {  	[tilespmem:s23+$0x162B0] =	vst v0  }
0x22: {  	[tilespmem:s23+$0x162C0] =	vst v0  }
0x23: {  	[tilespmem:s23+$0x162D0] =	vst v0  }
0x24: {  	[tilespmem:s23+$0x162E0] =	vst v0;
	s23 =	sshra.s32 s24, $0x2;
	s24 =	sadd.s32 $0x200, s24  }
0x25: {  	[tilespmem:s23+$0x162F0] =	vst v0  }
0x26: {  	[tilespmem:s23+$0x16280] =	vst v0  }
0x27: {  	[tilespmem:s23+$0x16290] =	vst v0  }
0x28: {  	[tilespmem:s23+$0x162A0] =	vst v0  }
0x29: {  	[tilespmem:s23+$0x162B0] =	vst v0  }
0x2a: {  	[tilespmem:s23+$0x162C0] =	vst v0  }
0x2b: {  	[tilespmem:s23+$0x162D0] =	vst v0  }
0x2c: {  	[tilespmem:s23+$0x162E0] =	vst v0  }
0x2d: {  	[spmem:s11] =	stream.linear.scatter [tilespmem:s29], [sflag:$0x3], $0x2800, $0x38;
	[tilespmem:$0x1B580] =	vst v63  }
0x2e: {  	_ =	swait.ge [sflag:s30], $0x2800  }
0x2f: {  	[sflag:s30] =	ssyncset.done $0x0  }
0x30: {  	[sflag:s30] =	ssyncadd.s32 $0xFFFFD800  }
0x31: {  	[spmem:s14] =	stream.linear.scatter [tilespmem:s29], [sflag:$0x3], $0x2800, $0x38;
	[tilespmem:$0x1B580] =	vst v63  }
0x32: {  	_ =	swait.ge [sflag:s30], $0x2800  }
0x33: {  	[sflag:s30] =	ssyncset.done $0x0  }
0x34: {  	[sflag:s30] =	ssyncadd.s32 $0xFFFFD800  }
0x35: {  	[spmem:s25] =	stream.linear.scatter [tilespmem:s29], [sflag:$0x3], $0x2800, $0x38;
	[tilespmem:$0x1B580] =	vst v63  }
0x36: {  	_ =	swait.ge [sflag:s30], $0x2800  }
0x37: {  	[sflag:s30] =	ssyncset.done $0x0  }
0x38: {  	[sflag:s30] =	ssyncadd.s32 $0xFFFFD800  }
0x39: {  	[spmem:s31] =	stream.linear.scatter [tilespmem:s29], [sflag:$0x3], $0x2800, $0x38;
	[tilespmem:$0x1B580] =	vst v63  }
0x3a: {  	_ =	swait.ge [sflag:s30], $0x2800  }
0x3b: {  	[sflag:s30] =	ssyncset.done $0x0  }
0x3c: {  	s13 =	rddreg [dreg:$0x8];
	[sflag:s30] =	ssyncadd.s32 $0xFFFFD800  }
0x3d: {  	[spmem:s13] =	stream.linear.scatter [tilespmem:s29], [sflag:$0x3], $0x2800, $0x38;
	[tilespmem:$0x1B580] =	vst v63  }
0x3e: {  	_ =	swait.ge [sflag:s30], $0x2800  }
0x3f: {  	[sflag:s30] =	ssyncset.done $0x0  }
0x40: {  	s24 =	rddreg [dreg:$0x9];
	[sflag:s30] =	ssyncadd.s32 $0xFFFFD800  }
0x41: {  	[spmem:s24] =	stream.linear.scatter [tilespmem:s29], [sflag:$0x3], $0x2800, $0x38;
	[tilespmem:$0x1B580] =	vst v63  }
0x42: {  	_ =	swait.ge [sflag:s30], $0x2800  }
0x43: {  	[sflag:s30] =	ssyncset.done $0x0  }
0x44: {  	s17 =	smov.u32 s25;
	s25 =	rddreg [dreg:$0x12];
	[sflag:s30] =	ssyncadd.s32 $0xFFFFD800  }
0x45: {  	[spmem:s25] =	stream.linear.scatter [tilespmem:s29], [sflag:$0x3], $0x2800, $0x38;
	[tilespmem:$0x1B580] =	vst v63  }
0x46: {  	_ =	swait.ge [sflag:s30], $0x2800  }
0x47: {  	[sflag:s30] =	ssyncset.done $0x0  }
0x48: {  	s26 =	smov.u32 s31;
	s31 =	rddreg [dreg:$0x13];
	[sflag:s30] =	ssyncadd.s32 $0xFFFFD800  }
0x49: {  	[spmem:s31] =	stream.linear.scatter [tilespmem:s29], [sflag:$0x3], $0x2800, $0x38;
	[tilespmem:$0x1B580] =	vst v63  }
0x4a: {  	_ =	swait.ge [sflag:s30], $0x2800  }
0x4b: {  	[sflag:s30] =	ssyncset.done $0x0  }
0x4c: {  	[sflag:s30] =	ssyncadd.s32 $0xFFFFD800  }
0x4d: {  	[tilespmem:$0x1B280] =	vst v0  }
0x4e: {  	[tilespmem:$0x1B290] =	vst v0  }
0x4f: {  	[tilespmem:$0x1B2A0] =	vst v0  }
0x50: {  	[tilespmem:$0x1B2B0] =	vst v0  }
0x51: {  	[tilespmem:$0x1B2C0] =	vst v0  }
0x52: {  	[tilespmem:$0x1B2D0] =	vst v0  }
0x53: {  	[tilespmem:$0x1B2E0] =	vst v0  }
0x54: {  	[tilespmem:$0x1B2F0] =	vst v0  }
0x55: {  	[tilespmem:$0x1B300] =	vst v0  }
0x56: {  	[tilespmem:$0x1B310] =	vst v0  }
0x57: {  	[tilespmem:$0x1B320] =	vst v0  }
0x58: {  	[tilespmem:$0x1B330] =	vst v0  }
0x59: {  	[tilespmem:$0x1B340] =	vst v0  }
0x5a: {  	[tilespmem:$0x1B350] =	vst v0  }
0x5b: {  	[tilespmem:$0x1B360] =	vst v0  }
0x5c: {  	[tilespmem:$0x1B370] =	vst v0  }
0x5d: {  	[tilespmem:$0x1B380] =	vst v0  }
0x5e: {  	[tilespmem:$0x1B390] =	vst v0  }
0x5f: {  	[tilespmem:$0x1B3A0] =	vst v0  }
0x60: {  	[tilespmem:$0x1B3B0] =	vst v0  }
0x61: {  	[tilespmem:$0x1B3C0] =	vst v0  }
0x62: {  	[tilespmem:$0x1B3D0] =	vst v0  }
0x63: {  	[tilespmem:$0x1B3E0] =	vst v0  }
0x64: {  	[tilespmem:$0x1B3F0] =	vst v0  }
0x65: {  	[tilespmem:$0x1B400] =	vst v0  }
0x66: {  	[tilespmem:$0x1B410] =	vst v0  }
0x67: {  	[tilespmem:$0x1B420] =	vst v0  }
0x68: {  	[tilespmem:$0x1B430] =	vst v0  }
0x69: {  	[tilespmem:$0x1B440] =	vst v0  }
0x6a: {  	[tilespmem:$0x1B450] =	vst v0  }
0x6b: {  	[tilespmem:$0x1B460] =	vst v0  }
0x6c: {  	[tilespmem:$0x1B470] =	vst v0  }
0x6d: {  	[tilespmem:$0x1B480] =	vst v0  }
0x6e: {  	[tilespmem:$0x1B490] =	vst v0  }
0x6f: {  	[tilespmem:$0x1B4A0] =	vst v0  }
0x70: {  	[tilespmem:$0x1B4B0] =	vst v0  }
0x71: {  	[tilespmem:$0x1B4C0] =	vst v0  }
0x72: {  	[tilespmem:$0x1B4D0] =	vst v0  }
0x73: {  	[tilespmem:$0x1B4E0] =	vst v0  }
0x74: {  	[tilespmem:$0x1B4F0] =	vst v0  }
0x75: {  	[spmem:s8] =	stream.linear.scatter [tilespmem:s28], [sflag:$0x3], $0x280, $0x38;
	[tilespmem:$0x1B580] =	vst v63  }
0x76: {  	_ =	swait.ge [sflag:s30], $0x280  }
0x77: {  	[sflag:s30] =	ssyncset.done $0x0  }
0x78: {  	[sflag:s30] =	ssyncadd.s32 $0xFFFFFD80  }
0x79: {  	[tilespmem:$0x1B500] =	vst v1  }
0x7a: {  	[tilespmem:$0x1B510] =	vst v1  }
0x7b: {  	[tilespmem:$0x1B520] =	vst v1  }
0x7c: {  	[tilespmem:$0x1B530] =	vst v1  }
0x7d: {  	s16 =	smov.u32 s14;
	s15 =	smov.u32 s8;
	[tilespmem:$0x1B540] =	vst v1  }
0x7e: {  	s23 =	simm.s32 $0x0;
	s24 =	simm.s32 $0x0;
	[bflag:$0x0] =	sbarrier.arrive $0xFFFF  }
.LBB2_4:
0x7f: {  	s25 =	sadd.s32 s9, s24  }
0x80: {  	s25 =	sshll.u32 s25, $0x9  }
0x81: {  	s31 =	sadd.s32 s6, s25  }
0x82: {  	[tilespmem:s2], [sflag:$0x3] =	stream.linear.gather [hbm4b:s31+s23], $0xC80, $0x38;
	[tilespmem:$0x1B580] =	vst v63  }
0x83: {  	_ =	swait.ge [sflag:s30], $0xC80  }
0x84: {  	[sflag:s30] =	ssyncset.done $0x0  }
0x85: {  	s25 =	sadd.s32 s7, s25;
	[sflag:s30] =	ssyncadd.s32 $0xFFFFF380  }
0x86: {  	[tilespmem:s0], [sflag:$0x3] =	stream.linear.gather [hbm4b:s25+s23], $0xC80, $0x38;
	[tilespmem:$0x1B580] =	vst v63  }
0x87: {  	_ =	swait.ge [sflag:s30], $0xC80  }
0x88: {  	[sflag:s30] =	ssyncset.done $0x0  }
0x89: {  	[sflag:s30] =	ssyncadd.s32 $0xFFFFF380  }
0x8a: {  	[tilespmem:s29], [sflag:$0x1] =	stream.indirect.gather [hbm4b:s1+s10], $0x80, s2, s10, $0xb8;
	[tilespmem:$0x1B580] =	vst v63  }
0x8b: {  	s8 =	simm.s32 $0x14300  }
0x8c: {  	[tilespmem:s12], [sflag:$0x2] =	stream.indirect.gather [hbm4b:s1+s10], $0x80, s8, s10, $0xb8;
	[tilespmem:$0x1B580] =	vst v63  }
0x8d: {  	_ =	swait.ge [sflag:s18], $0x2800  }
0x8e: {  	[sflag:s18] =	ssyncset.done $0x0  }
0x8f: {  	s13 =	simm.s32 $0x15280;
	[sflag:s18] =	ssyncadd.s32 $0xFFFFD800  }
0x90: {  	[spmem:s3] =	stream.indirect.scatter.add.f32 [tilespmem:s29], [sflag:$0x3], $0x80, s13, s10, $0xb8;
	[tilespmem:$0x1B580] =	vst v63  }
0x91: {  	_ =	swait.ge [sflag:s30], $0x2800  }
0x92: {  	[sflag:s30] =	ssyncset.done $0x0  }
0x93: {  	[sflag:s30] =	ssyncadd.s32 $0xFFFFD800  }
0x94: {  	[spmem:s4] =	stream.indirect.scatter.add.f32 [tilespmem:s19], [sflag:$0x3], $0x1, s13, s10, $0xb8;
	[tilespmem:$0x1B580] =	vst v63  }
0x95: {  	_ =	swait.ge [sflag:s30], $0x50  }
0x96: {  	[sflag:s30] =	ssyncset.done $0x0  }
0x97: {  	s14 =	simm.s32 $0x14380;
	[sflag:s30] =	ssyncadd.s32 $0xFFFFFFB0  }
0x98: {  	[tilespmem:s29], [sflag:$0x1] =	stream.indirect.gather [hbm4b:s1+s10], $0x80, s14, s10, $0xb8;
	[tilespmem:$0x1B580] =	vst v63  }
0x99: {  	_ =	swait.ge [sflag:s20], $0x2800  }
0x9a: {  	[sflag:s20] =	ssyncset.done $0x0  }
0x9b: {  	s28 =	simm.s32 $0x15300;
	[sflag:s20] =	ssyncadd.s32 $0xFFFFD800  }
0x9c: {  	[spmem:s3] =	stream.indirect.scatter.add.f32 [tilespmem:s12], [sflag:$0x3], $0x80, s28, s10, $0xb8;
	[tilespmem:$0x1B580] =	vst v63  }
0x9d: {  	_ =	swait.ge [sflag:s30], $0x2800  }
0x9e: {  	[sflag:s30] =	ssyncset.done $0x0  }
0x9f: {  	[sflag:s30] =	ssyncadd.s32 $0xFFFFD800  }
0xa0: {  	[spmem:s4] =	stream.indirect.scatter.add.f32 [tilespmem:s19], [sflag:$0x3], $0x1, s28, s10, $0xb8;
	[tilespmem:$0x1B580] =	vst v63  }
0xa1: {  	_ =	swait.ge [sflag:s30], $0x50  }
0xa2: {  	s31 =	simm.s32 $0x800;
	s25 =	simm.s32 $0x100;
	[sflag:s30] =	ssyncset.done $0x0  }
.LBB2_5:
0xa3: {  	s8 =	sadd.s32 $0x14300, s25  }
0xa4: {  	[sflag:s30] =	ssyncadd.s32 $0xFFFFFFB0;
	s13 =	smov.u32 s31;
	s14 =	sadd.s32 $0x400, s31  }
0xa5: {  	[tilespmem:s12], [sflag:$0x2] =	stream.indirect.gather [hbm4b:s1+s10], $0x80, s8, s10, $0xb8;
	[tilespmem:$0x1B580] =	vst v63  }
0xa6: {  	p0 =	sne.s32 s31, $0x2C00;
	_ =	swait.ge [sflag:s18], $0x2800  }
0xa7: {  	[sflag:s18] =	ssyncset.done $0x0  }
0xa8: {  	s8 =	sadd.s32 $0x15280, s25;
	[sflag:s18] =	ssyncadd.s32 $0xFFFFD800  }
0xa9: {  	[spmem:s3] =	stream.indirect.scatter.add.f32 [tilespmem:s29], [sflag:$0x3], $0x80, s8, s10, $0xb8;
	[tilespmem:$0x1B580] =	vst v63  }
0xaa: {  	_ =	swait.ge [sflag:s30], $0x2800  }
0xab: {  	[sflag:s30] =	ssyncset.done $0x0  }
0xac: {  	[sflag:s30] =	ssyncadd.s32 $0xFFFFD800  }
0xad: {  	[spmem:s4] =	stream.indirect.scatter.add.f32 [tilespmem:s19], [sflag:$0x3], $0x1, s8, s10, $0xb8;
	[tilespmem:$0x1B580] =	vst v63  }
0xae: {  	_ =	swait.ge [sflag:s30], $0x50  }
0xaf: {  	[sflag:s30] =	ssyncset.done $0x0  }
0xb0: {  	s8 =	sadd.s32 $0x14380, s25;
	[sflag:s30] =	ssyncadd.s32 $0xFFFFFFB0  }
0xb1: {  	[tilespmem:s29], [sflag:$0x1] =	stream.indirect.gather [hbm4b:s1+s10], $0x80, s8, s10, $0xb8;
	[tilespmem:$0x1B580] =	vst v63  }
0xb2: {  	_ =	swait.ge [sflag:s20], $0x2800  }
0xb3: {  	[sflag:s20] =	ssyncset.done $0x0  }
0xb4: {  	s8 =	sadd.s32 $0x15300, s25;
	[sflag:s20] =	ssyncadd.s32 $0xFFFFD800  }
0xb5: {  	[spmem:s3] =	stream.indirect.scatter.add.f32 [tilespmem:s12], [sflag:$0x3], $0x80, s8, s10, $0xb8;
	[tilespmem:$0x1B580] =	vst v63  }
0xb6: {  	_ =	swait.ge [sflag:s30], $0x2800  }
.Ltmp1:
0xb7: {  	[sflag:s30] =	ssyncset.done $0x0;
	(pc) =	sbr.rel @p0 .LBB2_5-.Ltmp1, $4  }
0xb8: {  	[sflag:s30] =	ssyncadd.s32 $0xFFFFD800  }
0xb9: {  	[spmem:s4] =	stream.indirect.scatter.add.f32 [tilespmem:s19], [sflag:$0x3], $0x1, s8, s10, $0xb8;
	[tilespmem:$0x1B580] =	vst v63  }
0xba: {  	_ =	swait.ge [sflag:s30], $0x50  }
0xbb: {  	s31 =	smov.u32 s14;
	s25 =	sshra.s32 s13, $0x2;
	[sflag:s30] =	ssyncset.done $0x0  }
0xbc: {  	s8 =	sadd.s32 $0x14300, s25;
	[sflag:s30] =	ssyncadd.s32 $0xFFFFFFB0  }
0xbd: {  	[tilespmem:s12], [sflag:$0x2] =	stream.indirect.gather [hbm4b:s1+s10], $0x80, s8, s10, $0xb8;
	[tilespmem:$0x1B580] =	vst v63  }
0xbe: {  	_ =	swait.ge [sflag:s18], $0x2800  }
0xbf: {  	[sflag:s18] =	ssyncset.done $0x0  }
0xc0: {  	s14 =	sadd.s32 $0x15280, s25;
	[sflag:s18] =	ssyncadd.s32 $0xFFFFD800  }
0xc1: {  	[spmem:s3] =	stream.indirect.scatter.add.f32 [tilespmem:s29], [sflag:$0x3], $0x80, s14, s10, $0xb8;
	[tilespmem:$0x1B580] =	vst v63  }
0xc2: {  	_ =	swait.ge [sflag:s30], $0x2800  }
0xc3: {  	[sflag:s30] =	ssyncset.done $0x0  }
0xc4: {  	[sflag:s30] =	ssyncadd.s32 $0xFFFFD800  }
0xc5: {  	[spmem:s4] =	stream.indirect.scatter.add.f32 [tilespmem:s19], [sflag:$0x3], $0x1, s14, s10, $0xb8;
	[tilespmem:$0x1B580] =	vst v63  }
0xc6: {  	_ =	swait.ge [sflag:s30], $0x50  }
0xc7: {  	[sflag:s30] =	ssyncset.done $0x0  }
0xc8: {  	s28 =	sadd.s32 $0x14380, s25;
	[sflag:s30] =	ssyncadd.s32 $0xFFFFFFB0  }
0xc9: {  	[tilespmem:s29], [sflag:$0x1] =	stream.indirect.gather [hbm4b:s1+s10], $0x80, s28, s10, $0xb8;
	[tilespmem:$0x1B580] =	vst v63  }
0xca: {  	_ =	swait.ge [sflag:s20], $0x2800  }
0xcb: {  	[sflag:s20] =	ssyncset.done $0x0  }
0xcc: {  	s31 =	sadd.s32 $0x15300, s25;
	[sflag:s20] =	ssyncadd.s32 $0xFFFFD800  }
0xcd: {  	[spmem:s3] =	stream.indirect.scatter.add.f32 [tilespmem:s12], [sflag:$0x3], $0x80, s31, s10, $0xb8;
	[tilespmem:$0x1B580] =	vst v63  }
0xce: {  	_ =	swait.ge [sflag:s30], $0x2800  }
0xcf: {  	[sflag:s30] =	ssyncset.done $0x0  }
0xd0: {  	[sflag:s30] =	ssyncadd.s32 $0xFFFFD800  }
0xd1: {  	[spmem:s4] =	stream.indirect.scatter.add.f32 [tilespmem:s19], [sflag:$0x3], $0x1, s31, s10, $0xb8;
	[tilespmem:$0x1B580] =	vst v63  }
0xd2: {  	_ =	swait.ge [sflag:s30], $0x50  }
0xd3: {  	[sflag:s30] =	ssyncset.done $0x0  }
0xd4: {  	[sflag:s30] =	ssyncadd.s32 $0xFFFFFFB0  }
0xd5: {  	_ =	swait.ge [sflag:s18], $0x2800  }
0xd6: {  	[sflag:s18] =	ssyncset.done $0x0  }
0xd7: {  	[sflag:s18] =	ssyncadd.s32 $0xFFFFD800  }
0xd8: {  	[spmem:s3] =	stream.indirect.scatter.add.f32 [tilespmem:s29], [sflag:$0x3], $0x80, s21, s10, $0xb8;
	[tilespmem:$0x1B580] =	vst v63  }
0xd9: {  	s24 =	sadd.s32 $0x1, s24;
	_ =	swait.ge [sflag:s30], $0x2800  }
0xda: {  	p0 =	sne.s32 s24, $0xA;
	[sflag:s30] =	ssyncset.done $0x0  }
.Ltmp2:
0xdb: {  	[sflag:s30] =	ssyncadd.s32 $0xFFFFD800;
	(pc) =	sbr.rel @p0 .LBB2_4-.Ltmp2, $4  }
0xdc: {  	[spmem:s4] =	stream.indirect.scatter.add.f32 [tilespmem:s19], [sflag:$0x3], $0x1, s21, s10, $0xb8;
	[tilespmem:$0x1B580] =	vst v63  }
0xdd: {  	_ =	swait.ge [sflag:s30], $0x50  }
0xde: {  	[sflag:s30] =	ssyncset.done $0x0  }
0xdf: {  	[sflag:s30] =	ssyncadd.s32 $0xFFFFFFB0  }
0xe0: {  	[bflag:$0x0] =	sbarrier.arrive $0xFFFF  }
0xe1: {  	[tilespmem:s29], [sflag:$0x3] =	stream.linear.gather [spmem:s11], $0x2800, $0x38;
	[tilespmem:$0x1B580] =	vst v63  }
0xe2: {  	_ =	swait.ge [sflag:s30], $0x2800  }
0xe3: {  	[sflag:s30] =	ssyncset.done $0x0  }
0xe4: {  	s8 =	rddreg [dreg:$0xa];
	[sflag:s30] =	ssyncadd.s32 $0xFFFFD800  }
0xe5: {  	[hbm4b:s8+s5] =	stream.linear.scatter [tilespmem:s29], [sflag:$0x3], $0x2800, $0x38;
	[tilespmem:$0x1B580] =	vst v63  }
0xe6: {  	_ =	swait.ge [sflag:s30], $0x2800  }
0xe7: {  	[sflag:s30] =	ssyncset.done $0x0  }
0xe8: {  	[sflag:s30] =	ssyncadd.s32 $0xFFFFD800  }
0xe9: {  	[tilespmem:s29], [sflag:$0x3] =	stream.linear.gather [spmem:s16], $0x2800, $0x38;
	[tilespmem:$0x1B580] =	vst v63  }
0xea: {  	_ =	swait.ge [sflag:s30], $0x2800  }
0xeb: {  	[sflag:s30] =	ssyncset.done $0x0  }
0xec: {  	s25 =	rddreg [dreg:$0xb];
	[sflag:s30] =	ssyncadd.s32 $0xFFFFD800  }
0xed: {  	[hbm4b:s25+s5] =	stream.linear.scatter [tilespmem:s29], [sflag:$0x3], $0x2800, $0x38;
	[tilespmem:$0x1B580] =	vst v63  }
0xee: {  	_ =	swait.ge [sflag:s30], $0x2800  }
0xef: {  	[sflag:s30] =	ssyncset.done $0x0  }
0xf0: {  	[sflag:s30] =	ssyncadd.s32 $0xFFFFD800  }
0xf1: {  	[tilespmem:s29], [sflag:$0x3] =	stream.linear.gather [spmem:s17], $0x2800, $0x38;
	[tilespmem:$0x1B580] =	vst v63  }
0xf2: {  	_ =	swait.ge [sflag:s30], $0x2800  }
0xf3: {  	[sflag:s30] =	ssyncset.done $0x0  }
0xf4: {  	s13 =	rddreg [dreg:$0xc];
	[sflag:s30] =	ssyncadd.s32 $0xFFFFD800  }
0xf5: {  	[hbm4b:s13+s5] =	stream.linear.scatter [tilespmem:s29], [sflag:$0x3], $0x2800, $0x38;
	[tilespmem:$0x1B580] =	vst v63  }
0xf6: {  	_ =	swait.ge [sflag:s30], $0x2800  }
0xf7: {  	[sflag:s30] =	ssyncset.done $0x0  }
0xf8: {  	[sflag:s30] =	ssyncadd.s32 $0xFFFFD800  }
0xf9: {  	[tilespmem:s29], [sflag:$0x3] =	stream.linear.gather [spmem:s26], $0x2800, $0x38;
	[tilespmem:$0x1B580] =	vst v63  }
0xfa: {  	_ =	swait.ge [sflag:s30], $0x2800  }
0xfb: {  	[sflag:s30] =	ssyncset.done $0x0  }
0xfc: {  	s14 =	smov.u32 s16;
	s16 =	rddreg [dreg:$0xd];
	[sflag:s30] =	ssyncadd.s32 $0xFFFFD800  }
0xfd: {  	[hbm4b:s16+s5] =	stream.linear.scatter [tilespmem:s29], [sflag:$0x3], $0x2800, $0x38;
	[tilespmem:$0x1B580] =	vst v63  }
0xfe: {  	_ =	swait.ge [sflag:s30], $0x2800  }
0xff: {  	[sflag:s30] =	ssyncset.done $0x0  }
0x100: {  	s25 =	smov.u32 s17;
	s17 =	rddreg [dreg:$0x8];
	[sflag:s30] =	ssyncadd.s32 $0xFFFFD800  }
0x101: {  	[tilespmem:s29], [sflag:$0x3] =	stream.linear.gather [spmem:s17], $0x2800, $0x38;
	[tilespmem:$0x1B580] =	vst v63  }
0x102: {  	_ =	swait.ge [sflag:s30], $0x2800  }
0x103: {  	[sflag:s30] =	ssyncset.done $0x0  }
0x104: {  	s23 =	rddreg [dreg:$0xe];
	[sflag:s30] =	ssyncadd.s32 $0xFFFFD800  }
0x105: {  	[hbm4b:s23+s5] =	stream.linear.scatter [tilespmem:s29], [sflag:$0x3], $0x2800, $0x38;
	[tilespmem:$0x1B580] =	vst v63  }
0x106: {  	_ =	swait.ge [sflag:s30], $0x2800  }
0x107: {  	[sflag:s30] =	ssyncset.done $0x0  }
0x108: {  	s24 =	rddreg [dreg:$0x9];
	[sflag:s30] =	ssyncadd.s32 $0xFFFFD800  }
0x109: {  	[tilespmem:s29], [sflag:$0x3] =	stream.linear.gather [spmem:s24], $0x2800, $0x38;
	[tilespmem:$0x1B580] =	vst v63  }
0x10a: {  	_ =	swait.ge [sflag:s30], $0x2800  }
0x10b: {  	[sflag:s30] =	ssyncset.done $0x0  }
0x10c: {  	s31 =	smov.u32 s26;
	s26 =	rddreg [dreg:$0xf];
	[sflag:s30] =	ssyncadd.s32 $0xFFFFD800  }
0x10d: {  	[hbm4b:s26+s5] =	stream.linear.scatter [tilespmem:s29], [sflag:$0x3], $0x2800, $0x38;
	[tilespmem:$0x1B580] =	vst v63  }
0x10e: {  	_ =	swait.ge [sflag:s30], $0x2800  }
0x10f: {  	[sflag:s30] =	ssyncset.done $0x0  }
0x110: {  	s13 =	rddreg [dreg:$0x12];
	[sflag:s30] =	ssyncadd.s32 $0xFFFFD800  }
0x111: {  	[tilespmem:s29], [sflag:$0x3] =	stream.linear.gather [spmem:s13], $0x2800, $0x38;
	[tilespmem:$0x1B580] =	vst v63  }
0x112: {  	_ =	swait.ge [sflag:s30], $0x2800  }
0x113: {  	[sflag:s30] =	ssyncset.done $0x0  }
0x114: {  	s16 =	rddreg [dreg:$0x10];
	[sflag:s30] =	ssyncadd.s32 $0xFFFFD800  }
0x115: {  	[hbm4b:s16+s5] =	stream.linear.scatter [tilespmem:s29], [sflag:$0x3], $0x2800, $0x38;
	[tilespmem:$0x1B580] =	vst v63  }
0x116: {  	_ =	swait.ge [sflag:s30], $0x2800  }
0x117: {  	[sflag:s30] =	ssyncset.done $0x0  }
0x118: {  	s17 =	rddreg [dreg:$0x13];
	[sflag:s30] =	ssyncadd.s32 $0xFFFFD800  }
0x119: {  	[tilespmem:s29], [sflag:$0x3] =	stream.linear.gather [spmem:s17], $0x2800, $0x38;
	[tilespmem:$0x1B580] =	vst v63  }
0x11a: {  	_ =	swait.ge [sflag:s30], $0x2800  }
0x11b: {  	[sflag:s30] =	ssyncset.done $0x0  }
0x11c: {  	s23 =	rddreg [dreg:$0x11];
	[sflag:s30] =	ssyncadd.s32 $0xFFFFD800  }
0x11d: {  	[hbm4b:s23+s5] =	stream.linear.scatter [tilespmem:s29], [sflag:$0x3], $0x2800, $0x38;
	[tilespmem:$0x1B580] =	vst v63  }
0x11e: {  	_ =	swait.ge [sflag:s30], $0x2800  }
0x11f: {  	[sflag:s30] =	ssyncset.done $0x0  }
0x120: {  	s8 =	smov.u32 s15;
	s24 =	simm.s32 $0x1B280;
	[sflag:s30] =	ssyncadd.s32 $0xFFFFD800  }
0x121: {  	[tilespmem:s24], [sflag:$0x3] =	stream.linear.gather [spmem:s8], $0x280, $0x38;
	[tilespmem:$0x1B580] =	vst v63  }
0x122: {  	_ =	swait.ge [sflag:s30], $0x280  }
0x123: {  	[sflag:s30] =	ssyncset.done $0x0  }
0x124: {  	s13 =	rddreg [dreg:$0x6];
	[sflag:s30] =	ssyncadd.s32 $0xFFFFFD80  }
0x125: {  	[hbm4b:s13+s5] =	stream.linear.scatter [tilespmem:s24], [sflag:$0x3], $0x280, $0x38;
	[tilespmem:$0x1B580] =	vst v63  }
0x126: {  	_ =	swait.ge [sflag:s30], $0x280  }
0x127: {  	s22 =	sadd.s32 $0x1, s22;
	s26 =	rddreg [dreg:$0x7]  }
0x128: {  	p0 =	sne.s32 s22, s26  }
.Ltmp3:
0x129: {  	_ = 	snop;
	(pc) =	sbr.rel @p0 .LBB2_1-.Ltmp3, $3  }
0x12a: {  	_ =	sdelay $0x1  }
0x12b: {  	[sflag:s30] =	ssyncset.done $0x0  }
0x12c: {  	s28 =	simm.s32 $0x1B280;
	[sflag:s30] =	ssyncadd.s32 $0xFFFFFD80  }
0x12d: {  	_ =	sfence.sel $0x180000  }
0x12e: {  	[bflag:$0x0] =	sbarrier.arrive $0xFFFF  }
0x12f: {  	_ =	strace $0x90000047  }
0x130: {  	s0 =	stileid.u32;
	[bflag:$0x2] =	sbarrier.arrive $0xFFFF  }
0x131: {  	p0 =	sne.s32 s0, $0x0;
	s0 =	rddreg [dreg:$0x5]  }
0x132: {  	s0 =	sadd.s32 @!p0 $0x100000, s0  }
0x133: {  	[sflag:s0] =	ssyncadd.tile.s32 @!p0 $0x1;
	_ =	shalt  }
.Lfunc_end2:
_tile_overlayer_lowered:
.L_overlay_start_2:
0x134: {  	(tag) =	ssettag $0x2  }
0x135: {  	s0 =	rddreg [dreg:$0x0];
	s2 =	stileid.u32  }
0x136: {  	s1 =	rddreg [dreg:$0x1];
	p0 =	sne.s32 s2, $0x0  }
0x137: {  	s3 =	rddreg [dreg:$0x2];
	[bflag:$0x3] =	sbarrier.arrive $0xFFFF;
	s2 =	simm.s32 @!p0 $0x1C03  }
0x138: {  	[timem:s3], [sflag:s2] =	dma.local @!p0 [hbm:s0], s1  }
0x139: {  	s0 =	simm.s32 @!p0 $0x3  }
0x13a: {  	_ =	swait.ge @!p0 [sflag:s0], s1  }
0x13b: {  	s1 =	ssub.s32 @!p0 $0x0, s1;
	[sflag:s0] =	ssyncset.done @!p0 $0x0  }
0x13c: {  	[sflag:s0] =	ssyncadd.s32 @!p0 s1  }
0x13d: {  	[bflag:$0x3] =	sbarrier.arrive $0xFFFF  }
0x13e: {  	_ =	shalt  }

// kernel: kernel.9.cloned.1.call-start
scs
__scs_entry_jumppad:
0x0: {  	(pc) =	sbr.rel $0x88, $3  }
0x1: {  	(tag) =	ssettag $0x0;
	lr =	simm.s32 $0x1  }
0x2: {  	[smem:$0x3F92] =	sst lr;
	_ =	strace $0xD0000000  }
0x3: {  	_ = 	snop  }
0x4: {  	_ = 	snop  }
0x5: {  	_ = 	snop  }
0x6: {  	_ = 	snop  }
0x7: {  	_ = 	snop  }
__scs_overlays_trampoline_lowered:
0x8: {  	[smem:$0x3FA1] =	sst s0  }
0x9: {  	[smem:$0x3FA2] =	sst s1  }
0xa: {  	[smem:$0x3FA3] =	sst s2  }
0xb: {  	[smem:$0x3FA4] =	sst s3  }
0xc: {  	[smem:$0x3FA5] =	sst s4  }
0xd: {  	[smem:$0x3FA6] =	sst s5  }
0xe: {  	[smem:$0x3FA7] =	sst s6  }
0xf: {  	[smem:$0x3FA8] =	sst s7  }
0x10: {  	[smem:$0x3FA9] =	sst s8  }
0x11: {  	[smem:$0x3FAA] =	sst s9;
	s0 =	simm.s32 @!p0 $0x0  }
0x12: {  	s1 =	sld [smem:$0x3F90];
	s0 =	simm.s32 @p0 $0x1  }
0x13: {  	[smem:$0x3FAB] =	sst s0;
	s0 =	simm.s32 @!p1 $0x0  }
0x14: {  	s2 =	sld [smem:$0x3F8F];
	s0 =	simm.s32 @p1 $0x1  }
0x15: {  	[smem:$0x3FAC] =	sst s0;
	s0 =	simm.s32 @!p2 $0x0  }
0x16: {  	s3 =	sld [smem:$0x3FDB];
	s0 =	simm.s32 @p2 $0x1  }
0x17: {  	s4 =	simm.s32 $0x1BF5;
	[smem:$0x3FAE] =	sst s0  }
0x18: {  	s0 =	sld [smem:$0x3F91];
	_ =	swait.ge [sflag:s4], $0x0  }
0x19: {  	s7 =	sld [smem:$0x3F92]  }
0x1a: {  	s8 =	sadd.s32 $0xFFFFE003, lr  }
0x1b: {  	s9 =	sadd.s32 $0xFFFFFEF7, lr;
	s5 =	simm.s32 $0xFFFFFFFF;
	p2 =	slt.u32 s8, $0xFFFFF086  }
0x1c: {  	p1 =	slt.u32 s9, $0xF7A;
	s5 =	simm.s32 @!p2 $0x0  }
0x1d: {  	s5 =	simm.s32 @p1 $0x1;
	p0 =	seq.s32 s7, s2  }
0x1e: {  	s7 =	smul.u32 @!p0 $0xF7A, s2;
	p2 =	seq.s32 @!p0 s5, $0x0  }
0x1f: {  	s9 =	smul.u32 $0xF7A, s1;
	s8 =	simm.s32 @!p0 $0x1BF5;
	p2 =	por !p2, p0  }
0x20: {  	[sflag:s8] =	ssyncset.s32 @!p0 $0xFFFFF086;
	s6 =	sadd.s32 @!p0 s3, s7;
	s7 =	simm.s32 @!p0 $0x108  }
0x21: {  	s3 =	sadd.s32 s3, s9;
	s6 =	sadd.s32 @!p0 $0x88, s6;
	s7 =	simm.s32 @p2 $0x1082  }
0x22: {  	[simem:s7], [sflag:s8] =	dma.local @!p0 [hbm:s6], $0xF7A  }
0x23: {  	s9 =	sor.u32 $0xD0000000, s2;
	s6 =	simm.s32 $0x108;
	_ =	swait.ge @!p0 [sflag:s8], $0x0  }
0x24: {  	s3 =	sadd.s32 $0x88, s3;
	s6 =	simm.s32 @!p1 $0x1082;
	[sflag:s4] =	ssyncset.s32 $0xFFFFF086  }
0x25: {  	[simem:s6], [sflag:s4] =	dma.local [hbm:s3], $0xF7A  }
0x26: {  	[smem:$0x3F92] =	sst s1;
	(tag) =	ssettag s2;
	_ =	strace s9  }
0x27: {  	s1 =	sld [smem:$0x3FA2]  }
0x28: {  	s2 =	sld [smem:$0x3FA3]  }
0x29: {  	s4 =	sld [smem:$0x3FA5]  }
0x2a: {  	p0 =	seq.s32 s5, $0x0;
	s5 =	sld [smem:$0x3FA6]  }
0x2b: {  	s6 =	sld [smem:$0x3FA7]  }
0x2c: {  	s7 =	sld [smem:$0x3FA8]  }
0x2d: {  	s3 =	simm.s32 $0x108;
	s8 =	sld [smem:$0x3FA9]  }
0x2e: {  	s3 =	simm.s32 @!p0 $0x1082;
	s9 =	sld [smem:$0x3FAA]  }
0x2f: {  	lr =	sadd.s32 s0, s3;
	s0 =	sld [smem:$0x3FA1]  }
0x30: {  	s3 =	sld [smem:$0x3FA4]  }
0x31: {  	[smem:$0x3FAD] =	sst s10  }
0x32: {  	s10 =	sld [smem:$0x3FAB];
	_ =	sdelay $0x3  }
0x33: {  	p0 =	seq.s32 s10, $0x1;
	s10 =	sld [smem:$0x3FAD];
	_ =	sdelay $0x3  }
0x34: {  	[smem:$0x3FAD] =	sst s10  }
0x35: {  	s10 =	sld [smem:$0x3FAC];
	_ =	sdelay $0x3  }
0x36: {  	p1 =	seq.s32 s10, $0x1;
	s10 =	sld [smem:$0x3FAD];
	_ =	sdelay $0x3  }
0x37: {  	[smem:$0x3FAD] =	sst s10  }
0x38: {  	s10 =	sld [smem:$0x3FAE]  }
0x39: {  	_ = 	snop;
	(pc) =	sbr.ind lr, $3  }
0x3a: {  	_ = 	snop  }
0x3b: {  	_ = 	snop  }
0x3c: {  	p2 =	seq.s32 s10, $0x1;
	s10 =	sld [smem:$0x3FAD]  }
0x3d: {  	_ =	shalt  }
0x3e: {  	_ =	shalt  }
0x3f: {  	_ =	shalt  }
0x40: {  	_ =	shalt  }
0x41: {  	_ =	shalt  }
0x42: {  	_ =	shalt  }
0x43: {  	_ =	shalt  }
0x44: {  	_ =	shalt  }
0x45: {  	_ =	shalt  }
0x46: {  	_ =	shalt  }
0x47: {  	_ =	shalt  }
0x48: {  	_ =	shalt  }
0x49: {  	_ =	shalt  }
0x4a: {  	_ =	shalt  }
0x4b: {  	_ =	shalt  }
0x4c: {  	_ =	shalt  }
0x4d: {  	_ =	shalt  }
0x4e: {  	_ =	shalt  }
0x4f: {  	_ =	shalt  }
0x50: {  	_ =	shalt  }
0x51: {  	_ =	shalt  }
0x52: {  	_ =	shalt  }
0x53: {  	_ =	shalt  }
0x54: {  	_ =	shalt  }
0x55: {  	_ =	shalt  }
0x56: {  	_ =	shalt  }
0x57: {  	_ =	shalt  }
0x58: {  	_ =	shalt  }
0x59: {  	_ =	shalt  }
0x5a: {  	_ =	shalt  }
0x5b: {  	_ =	shalt  }
0x5c: {  	_ =	shalt  }
0x5d: {  	_ =	shalt  }
0x5e: {  	_ =	shalt  }
0x5f: {  	_ =	shalt  }
0x60: {  	_ =	shalt  }
0x61: {  	_ =	shalt  }
0x62: {  	_ =	shalt  }
0x63: {  	_ =	shalt  }
0x64: {  	_ =	shalt  }
0x65: {  	_ =	shalt  }
0x66: {  	_ =	shalt  }
0x67: {  	_ =	shalt  }
0x68: {  	_ =	shalt  }
0x69: {  	_ =	shalt  }
0x6a: {  	_ =	shalt  }
0x6b: {  	_ =	shalt  }
0x6c: {  	_ =	shalt  }
0x6d: {  	_ =	shalt  }
0x6e: {  	_ =	shalt  }
0x6f: {  	_ =	shalt  }
0x70: {  	_ =	shalt  }
0x71: {  	_ =	shalt  }
0x72: {  	_ =	shalt  }
0x73: {  	_ =	shalt  }
0x74: {  	_ =	shalt  }
0x75: {  	_ =	shalt  }
0x76: {  	_ =	shalt  }
0x77: {  	_ =	shalt  }
0x78: {  	_ =	shalt  }
0x79: {  	_ =	shalt  }
0x7a: {  	_ =	shalt  }
0x7b: {  	_ =	shalt  }
0x7c: {  	_ =	shalt  }
0x7d: {  	_ =	shalt  }
0x7e: {  	_ =	shalt  }
0x7f: {  	_ =	shalt  }
0x80: {  	_ =	shalt  }
0x81: {  	_ =	shalt  }
0x82: {  	_ =	shalt  }
0x83: {  	_ =	shalt  }
0x84: {  	_ =	shalt  }
0x85: {  	_ =	shalt  }
0x86: {  	_ =	shalt  }
0x87: {  	_ =	shalt  }
.Lfunc_end0:
.L_simem_size_0:
called_computation.1_lowered:
.L_overlay_start_0:
0x88: {  	s2 =	sld [smem:$0x3FD9]  }
0x89: {  	s3 =	sld [smem:$0x3FFE];
	_ =	sdelay $0x1  }
0x8a: {  	s1 =	srdreg.scid  }
0x8b: {  	s0 =	sand.u32 $0x1, s1  }
0x8c: {  	s17 =	sshll.u32 s0, $0xA;
	s2 =	sadd.s32 s3, s2  }
0x8d: {  	s2 =	sadd.s32 s2, s17  }
0x8e: {  	[smem:$0x3FB9] =	sst s2  }
0x8f: {  	_ = 	snop  }
0x90: {  	s2 =	sld [smem:$0x3FD0];
	(tm) =	ssettm $0x1  }
0x91: {  	s18 =	sld [smem:$0x3FFB];
	_ =	sdelay $0x3  }
0x92: {  	_ =	strace s18  }
0x93: {  	s3 =	sld [smem:$0x3FFC];
	_ =	sdelay $0x3  }
0x94: {  	_ =	strace s3  }
0x95: {  	s3 =	sld [smem:$0x3FFD];
	_ =	sdelay $0x3  }
0x96: {  	_ =	strace s3  }
0x97: {  	_ =	strace $0x8FFFFFFF  }
0x98: {  	s19 =	sld [smem:$0x3FDB];
	_ =	sdelay $0x1  }
0x99: {  	s4 =	simm.s32 $_scs_section_size  }
0x9a: {  	s5 =	simm.s32 $_size__tile_overlayer_lowered;
	s6 =	simm.s32 $_tile_overlayer_lowered  }
0x9b: {  	s22 =	simm.s32 $0x1BFF;
	s21 =	sshll.u32 s6, $0x1;
	s3 =	sadd.s32 s4, s19  }
0x9c: {  	s7 =	simm.s32 $0x0;
	s20 =	sshll.u32 s5, $0x1;
	s5 =	sadd.s32 s21, s3  }
0x9d: {  	[timem:s7], [sflag:s22] =	dma.local [hbm:s5], s20  }
0x9e: {  	_ =	swait.ge [sflag:s22], s20  }
0x9f: {  	s4 =	ssub.s32 $0x0, s20;
	[sflag:s22] =	ssyncset.done $0x0  }
0xa0: {  	[sflag:s22] =	ssyncadd.s32 s4;
	_ =	sdelay $0x1  }
0xa1: {  	s23 =	simm.s32 $0x1B8B  }
0xa2: {  	_ =	swait.ge [sflag:s23], $0x1  }
0xa3: {  	[sflag:s23] =	ssyncset.done $0x0  }
0xa4: {  	s25 =	simm.s32 $0x1B8E;
	s24 =	sld [smem:$0x3FFE];
	[sflag:s23] =	ssyncadd.s32 $0xFFFFFFFF  }
0xa5: {  	s26 =	simm.s32 $execute0_lowered;
	[smem:$0x3FD2] =	sst s25  }
0xa6: {  	s5 =	sshll.u32 s26, $0x1;
	_ =	strace $0x80000049;
	[dreg:$0x1] =	wrdreg $0xFFFFFFFF  }
0xa7: {  	s28 =	simm.s32 $_size_execute0_lowered;
	s3 =	sadd.s32 s3, s5;
	[dreg:$0x0] =	wrdreg $0x0  }
0xa8: {  	s5 =	sshll.u32 s28, $0x1;
	[dreg:$0x2] =	wrdreg s3  }
0xa9: {  	[dreg:$0x3] =	wrdreg s5  }
0xaa: {  	[dreg:$0x4] =	wrdreg $0xC0  }
0xab: {  	_ =	task [dreg:s7], $0x5FFFF  }
0xac: {  	[dreg:$0x1] =	wrdreg $0xFFFFFFFF  }
0xad: {  	[dreg:$0x0] =	wrdreg $0x60  }
0xae: {  	[dreg:$0x2] =	wrdreg s2  }
0xaf: {  	[dreg:$0x3] =	wrdreg s24  }
0xb0: {  	[dreg:$0x4] =	wrdreg $0x0  }
0xb1: {  	[dreg:$0x5] =	wrdreg $0x9  }
0xb2: {  	_ =	task.clear_ibuf [dreg:s7], $0x6FFFF;
	_ =	strace $0x90000049  }
0xb3: {  	s29 =	simm.s32 $0x9;
	_ =	strace $0x8000004B  }
0xb4: {  	_ =	swait.ge [sflag:s29], $0x1  }
0xb5: {  	[sflag:s29] =	ssyncadd.s32 $0xFFFFFFFF  }
0xb6: {  	_ =	strace $0x9000004B  }
0xb7: {  	_ =	sfence  }
0xb8: {  	s30 =	sld [smem:$0x0];
	_ =	sdelay $0x2  }
0xb9: {  	s31 =	sshll.u32 s1, $0xD;
	s1 =	sshrl.u32 s1, $0x2  }
0xba: {  	s3 =	sand.u32 $0x4000, s31;
	s1 =	sadd.s32 s1, s30  }
0xbb: {  	s0 =	sor.u32 s3, s0;
	s1 =	sshll.u32 s1, $0x11  }
0xbc: {  	s0 =	sor.u32 s1, s0  }
0xbd: {  	s0 =	sadd.s32 $0x8F2B, s0  }
0xbe: {  	[sflag:s0] =	ssyncadd.remote.s32 $0x1  }
0xbf: {  	_ =	sfence.sel $0xFFFF  }
0xc0: {  	[dreg:$0x0] =	wrdreg $0xFFFFFFFF;
	(pc) =	sbr.abs _section_cstart, $3  }
0xc1: {  	[dreg:$0x1] =	wrdreg $0xFFFFFFFF  }
0xc2: {  	_ =	task.clear_ibuf [dreg:s7], $0x2FFFF;
	_ =	strace $0x9FFFFFFF  }
0xc3: {  	(tm) =	ssettm $0x7FFFFFFF  }
tec
execute0_lowered:
.L_overlay_start_1:
0x0: {  	(tag) =	ssettag $0x1  }
0x1: {  	s1 =	rddreg [dreg:$0x0]  }
0x2: {  	s0 =	rddreg [dreg:$0x1];
	s2 =	srdreg.scid  }
0x3: {  	s10 =	stileid.u32;
	s3 =	rddreg [dreg:$0x2];
	s4 =	simm.s32 $0x0  }
0x4: {  	s28 =	simm.s32 $0x14000;
	s29 =	simm.s32 $0x15000;
	s30 =	simm.s32 $0x50  }
0x5: {  	s31 =	simm.s32 $0x18800;
	s17 =	simm.s32 $0x0;
	s5 =	smul.u32 $0x280, s10  }
0x6: {  	s2 =	sand.u32 $0x1, s2;
	[smem:$0x7FF] =	sst s4;
	s8 =	smul.u32 $0x50000, s10  }
0x7: {  	s6 =	smul.u32 $0x2800, s2;
	_ =	strace $0x8000004A;
	s18 =	ssub.s32 $0x2, s2  }
0x8: {  	s2 =	sshll.u32 s2, $0x4;
	s9 =	sshrl.u32 s18, $0x1;
	s8 =	sshrl.u32 s8, $0x2  }
0x9: {  	s2 =	sor.u32 s10, s2;
	s6 =	sadd.s32 s5, s6;
	s5 =	sadd.s32 $0x3200, s0  }
0xa: {  	s9 =	ssub.s32 s18, s9;
	s7 =	sshll.u32 s6, $0x4;
	s6 =	sadd.s32 $0x17200, s0  }
0xb: {  	s19 =	smax.u32 s9, $0x1;
	s9 =	simm.s32 $0x15C00;
	s0 =	sadd.s32 s7, s0  }
0xc: {  	s7 =	sadd.s32 s8, s3;
	[dreg:$0x4] =	wrdreg s19;
	s20 =	sadd.s32 $0x2B200, s0  }
0xd: {  	s8 =	smul.u32 $0x5, s2;
	s21 =	sadd.s32 $0x2B700, s0;
	[dreg:$0x5] =	wrdreg s20  }
0xe: {  	s2 =	simm.s32 $0x1;
	s22 =	sadd.s32 $0x2BC00, s0;
	[dreg:$0x6] =	wrdreg s21  }
0xf: {  	s10 =	sadd.s32 $0x2800, s7;
	s23 =	sadd.s32 $0x2C100, s0;
	[dreg:$0x7] =	wrdreg s22  }
0x10: {  	s11 =	sadd.s32 $0x5000, s7;
	s24 =	sadd.s32 $0x2C600, s0;
	[dreg:$0x8] =	wrdreg s23  }
0x11: {  	s12 =	sadd.s32 $0x7800, s7;
	s25 =	sadd.s32 $0x2CB00, s0;
	[dreg:$0x9] =	wrdreg s24  }
0x12: {  	s13 =	sadd.s32 $0xA000, s7;
	s26 =	sadd.s32 $0x2D000, s0;
	[dreg:$0xa] =	wrdreg s25  }
0x13: {  	s14 =	sadd.s32 $0xC800, s7;
	s0 =	sadd.s32 $0x2D500, s0;
	[dreg:$0xb] =	wrdreg s26  }
0x14: {  	s15 =	sadd.s32 $0xF000, s7;
	s16 =	sadd.s32 $0x11800, s7;
	[dreg:$0xc] =	wrdreg s0  }
0x15: {  	v0 =	vimm.f32 $0.0e+00;
	s25 =	simm.s32 $0x16000;
	s26 =	simm.s32 $0x3;
	s0 =	simm.s32 $0x2  }
.LBB2_1:
0x16: {  	s18 =	simm.s32 $0x0;
	s19 =	simm.s32 $0x200  }
.LBB2_2:
0x17: {  	p0 =	sne.s32 s19, $0x9E00;
	[tilespmem:s18+$0x16070] =	vst v0  }
0x18: {  	[tilespmem:s18+$0x16000] =	vst v0  }
0x19: {  	[tilespmem:s18+$0x16010] =	vst v0  }
.Ltmp0:
0x1a: {  	[tilespmem:s18+$0x16020] =	vst v0;
	(pc) =	sbr.rel @p0 .LBB2_2-.Ltmp0, $4  }
0x1b: {  	[tilespmem:s18+$0x16030] =	vst v0  }
0x1c: {  	[tilespmem:s18+$0x16040] =	vst v0  }
0x1d: {  	[tilespmem:s18+$0x16050] =	vst v0  }
0x1e: {  	[tilespmem:s18+$0x16060] =	vst v0;
	s18 =	sshra.s32 s19, $0x2;
	s19 =	sadd.s32 $0x200, s19  }
0x1f: {  	[tilespmem:s18+$0x16070] =	vst v0  }
0x20: {  	[tilespmem:s18+$0x16000] =	vst v0  }
0x21: {  	[tilespmem:s18+$0x16010] =	vst v0  }
0x22: {  	[tilespmem:s18+$0x16020] =	vst v0  }
0x23: {  	[tilespmem:s18+$0x16030] =	vst v0  }
0x24: {  	[tilespmem:s18+$0x16040] =	vst v0  }
0x25: {  	[tilespmem:s18+$0x16050] =	vst v0  }
0x26: {  	[tilespmem:s18+$0x16060] =	vst v0  }
0x27: {  	[spmem:s7] =	stream.linear.scatter [tilespmem:s25], [sflag:$0x3], $0x2800, $0x38;
	[tilespmem:$0x1B000] =	vst v63  }
0x28: {  	_ =	swait.ge [sflag:s26], $0x2800  }
0x29: {  	[sflag:s26] =	ssyncset.done $0x0  }
0x2a: {  	[sflag:s26] =	ssyncadd.s32 $0xFFFFD800  }
0x2b: {  	[spmem:s10] =	stream.linear.scatter [tilespmem:s25], [sflag:$0x3], $0x2800, $0x38;
	[tilespmem:$0x1B000] =	vst v63  }
0x2c: {  	_ =	swait.ge [sflag:s26], $0x2800  }
0x2d: {  	[sflag:s26] =	ssyncset.done $0x0  }
0x2e: {  	[sflag:s26] =	ssyncadd.s32 $0xFFFFD800  }
0x2f: {  	[spmem:s11] =	stream.linear.scatter [tilespmem:s25], [sflag:$0x3], $0x2800, $0x38;
	[tilespmem:$0x1B000] =	vst v63  }
0x30: {  	_ =	swait.ge [sflag:s26], $0x2800  }
0x31: {  	[sflag:s26] =	ssyncset.done $0x0  }
0x32: {  	[sflag:s26] =	ssyncadd.s32 $0xFFFFD800  }
0x33: {  	[spmem:s12] =	stream.linear.scatter [tilespmem:s25], [sflag:$0x3], $0x2800, $0x38;
	[tilespmem:$0x1B000] =	vst v63  }
0x34: {  	_ =	swait.ge [sflag:s26], $0x2800  }
0x35: {  	[sflag:s26] =	ssyncset.done $0x0  }
0x36: {  	[sflag:s26] =	ssyncadd.s32 $0xFFFFD800  }
0x37: {  	[spmem:s13] =	stream.linear.scatter [tilespmem:s25], [sflag:$0x3], $0x2800, $0x38;
	[tilespmem:$0x1B000] =	vst v63  }
0x38: {  	_ =	swait.ge [sflag:s26], $0x2800  }
0x39: {  	[sflag:s26] =	ssyncset.done $0x0  }
0x3a: {  	[sflag:s26] =	ssyncadd.s32 $0xFFFFD800  }
0x3b: {  	[spmem:s14] =	stream.linear.scatter [tilespmem:s25], [sflag:$0x3], $0x2800, $0x38;
	[tilespmem:$0x1B000] =	vst v63  }
0x3c: {  	_ =	swait.ge [sflag:s26], $0x2800  }
0x3d: {  	[sflag:s26] =	ssyncset.done $0x0  }
0x3e: {  	[sflag:s26] =	ssyncadd.s32 $0xFFFFD800  }
0x3f: {  	[spmem:s15] =	stream.linear.scatter [tilespmem:s25], [sflag:$0x3], $0x2800, $0x38;
	[tilespmem:$0x1B000] =	vst v63  }
0x40: {  	_ =	swait.ge [sflag:s26], $0x2800  }
0x41: {  	[sflag:s26] =	ssyncset.done $0x0  }
0x42: {  	[sflag:s26] =	ssyncadd.s32 $0xFFFFD800  }
0x43: {  	[spmem:s16] =	stream.linear.scatter [tilespmem:s25], [sflag:$0x3], $0x2800, $0x38;
	[tilespmem:$0x1B000] =	vst v63  }
0x44: {  	_ =	swait.ge [sflag:s26], $0x2800  }
0x45: {  	[sflag:s26] =	ssyncset.done $0x0  }
0x46: {  	[sflag:s26] =	ssyncadd.s32 $0xFFFFD800  }
0x47: {  	s18 =	simm.s32 $0x0;
	s19 =	simm.s32 $0x0;
	[bflag:$0x0] =	sbarrier.arrive $0xFFFF  }
.LBB2_4:
0x48: {  	s20 =	sadd.s32 s8, s19  }
0x49: {  	s20 =	sshll.u32 s20, $0x9  }
0x4a: {  	s21 =	sadd.s32 s5, s20  }
0x4b: {  	[tilespmem:s28], [sflag:$0x3] =	stream.linear.gather [hbm4b:s21+s18], $0xC80, $0x38;
	[tilespmem:$0x1B000] =	vst v63  }
0x4c: {  	_ =	swait.ge [sflag:s26], $0xC80  }
0x4d: {  	[sflag:s26] =	ssyncset.done $0x0  }
0x4e: {  	s20 =	sadd.s32 s6, s20;
	[sflag:s26] =	ssyncadd.s32 $0xFFFFF380  }
0x4f: {  	[tilespmem:s29], [sflag:$0x3] =	stream.linear.gather [hbm4b:s20+s18], $0xC80, $0x38;
	[tilespmem:$0x1B000] =	vst v63  }
0x50: {  	_ =	swait.ge [sflag:s26], $0xC80  }
0x51: {  	[sflag:s26] =	ssyncset.done $0x0  }
0x52: {  	[sflag:s26] =	ssyncadd.s32 $0xFFFFF380  }
0x53: {  	[tilespmem:s25], [sflag:$0x1] =	stream.indirect.gather [hbm4b:s1+s30], $0x80, s28, s30, $0xb8;
	[tilespmem:$0x1B000] =	vst v63  }
0x54: {  	s21 =	simm.s32 $0x14080  }
0x55: {  	[tilespmem:s31], [sflag:$0x2] =	stream.indirect.gather [hbm4b:s1+s30], $0x80, s21, s30, $0xb8;
	[tilespmem:$0x1B000] =	vst v63  }
0x56: {  	_ =	swait.ge [sflag:s2], $0x2800  }
0x57: {  	[sflag:s2] =	ssyncset.done $0x0  }
0x58: {  	s22 =	simm.s32 $0x15000;
	[sflag:s2] =	ssyncadd.s32 $0xFFFFD800  }
0x59: {  	[spmem:s3] =	stream.indirect.scatter.add.f32 [tilespmem:s25], [sflag:$0x3], $0x80, s22, s30, $0xb8;
	[tilespmem:$0x1B000] =	vst v63  }
0x5a: {  	_ =	swait.ge [sflag:s26], $0x2800  }
0x5b: {  	[sflag:s26] =	ssyncset.done $0x0  }
0x5c: {  	s23 =	simm.s32 $0x14100;
	[sflag:s26] =	ssyncadd.s32 $0xFFFFD800  }
0x5d: {  	[tilespmem:s25], [sflag:$0x1] =	stream.indirect.gather [hbm4b:s1+s30], $0x80, s23, s30, $0xb8;
	[tilespmem:$0x1B000] =	vst v63  }
0x5e: {  	_ =	swait.ge [sflag:s0], $0x2800  }
0x5f: {  	[sflag:s0] =	ssyncset.done $0x0  }
0x60: {  	s24 =	simm.s32 $0x15080;
	[sflag:s0] =	ssyncadd.s32 $0xFFFFD800  }
0x61: {  	[spmem:s3] =	stream.indirect.scatter.add.f32 [tilespmem:s31], [sflag:$0x3], $0x80, s24, s30, $0xb8;
	[tilespmem:$0x1B000] =	vst v63  }
0x62: {  	_ =	swait.ge [sflag:s26], $0x2800  }
0x63: {  	s20 =	simm.s32 $0x100;
	s21 =	simm.s32 $0x800;
	[sflag:s26] =	ssyncset.done $0x0  }
.LBB2_5:
0x64: {  	s22 =	sadd.s32 $0x14080, s20  }
0x65: {  	[sflag:s26] =	ssyncadd.s32 $0xFFFFD800;
	s23 =	smov.u32 s21;
	s24 =	sadd.s32 $0x400, s21  }
0x66: {  	[tilespmem:s31], [sflag:$0x2] =	stream.indirect.gather [hbm4b:s1+s30], $0x80, s22, s30, $0xb8;
	[tilespmem:$0x1B000] =	vst v63  }
0x67: {  	p0 =	sne.s32 s21, $0x2C00;
	_ =	swait.ge [sflag:s2], $0x2800  }
0x68: {  	[sflag:s2] =	ssyncset.done $0x0  }
0x69: {  	s21 =	sadd.s32 $0x15000, s20;
	[sflag:s2] =	ssyncadd.s32 $0xFFFFD800  }
0x6a: {  	[spmem:s3] =	stream.indirect.scatter.add.f32 [tilespmem:s25], [sflag:$0x3], $0x80, s21, s30, $0xb8;
	[tilespmem:$0x1B000] =	vst v63  }
0x6b: {  	_ =	swait.ge [sflag:s26], $0x2800  }
0x6c: {  	[sflag:s26] =	ssyncset.done $0x0  }
0x6d: {  	s21 =	sadd.s32 $0x14100, s20;
	[sflag:s26] =	ssyncadd.s32 $0xFFFFD800  }
0x6e: {  	[tilespmem:s25], [sflag:$0x1] =	stream.indirect.gather [hbm4b:s1+s30], $0x80, s21, s30, $0xb8;
	[tilespmem:$0x1B000] =	vst v63  }
0x6f: {  	_ =	swait.ge [sflag:s0], $0x2800  }
.Ltmp1:
0x70: {  	[sflag:s0] =	ssyncset.done $0x0;
	(pc) =	sbr.rel @p0 .LBB2_5-.Ltmp1, $4  }
0x71: {  	s20 =	sadd.s32 $0x15080, s20;
	[sflag:s0] =	ssyncadd.s32 $0xFFFFD800  }
0x72: {  	[spmem:s3] =	stream.indirect.scatter.add.f32 [tilespmem:s31], [sflag:$0x3], $0x80, s20, s30, $0xb8;
	[tilespmem:$0x1B000] =	vst v63  }
0x73: {  	_ =	swait.ge [sflag:s26], $0x2800  }
0x74: {  	s21 =	smov.u32 s24;
	s20 =	sshra.s32 s23, $0x2;
	[sflag:s26] =	ssyncset.done $0x0  }
0x75: {  	s21 =	sadd.s32 $0x14080, s20;
	[sflag:s26] =	ssyncadd.s32 $0xFFFFD800  }
0x76: {  	[tilespmem:s31], [sflag:$0x2] =	stream.indirect.gather [hbm4b:s1+s30], $0x80, s21, s30, $0xb8;
	[tilespmem:$0x1B000] =	vst v63  }
0x77: {  	_ =	swait.ge [sflag:s2], $0x2800  }
0x78: {  	[sflag:s2] =	ssyncset.done $0x0  }
0x79: {  	s22 =	sadd.s32 $0x15000, s20;
	[sflag:s2] =	ssyncadd.s32 $0xFFFFD800  }
0x7a: {  	[spmem:s3] =	stream.indirect.scatter.add.f32 [tilespmem:s25], [sflag:$0x3], $0x80, s22, s30, $0xb8;
	[tilespmem:$0x1B000] =	vst v63  }
0x7b: {  	_ =	swait.ge [sflag:s26], $0x2800  }
0x7c: {  	[sflag:s26] =	ssyncset.done $0x0  }
0x7d: {  	s23 =	sadd.s32 $0x14100, s20;
	[sflag:s26] =	ssyncadd.s32 $0xFFFFD800  }
0x7e: {  	[tilespmem:s25], [sflag:$0x1] =	stream.indirect.gather [hbm4b:s1+s30], $0x80, s23, s30, $0xb8;
	[tilespmem:$0x1B000] =	vst v63  }
0x7f: {  	_ =	swait.ge [sflag:s0], $0x2800  }
0x80: {  	[sflag:s0] =	ssyncset.done $0x0  }
0x81: {  	s24 =	sadd.s32 $0x15080, s20;
	[sflag:s0] =	ssyncadd.s32 $0xFFFFD800  }
0x82: {  	[spmem:s3] =	stream.indirect.scatter.add.f32 [tilespmem:s31], [sflag:$0x3], $0x80, s24, s30, $0xb8;
	[tilespmem:$0x1B000] =	vst v63  }
0x83: {  	_ =	swait.ge [sflag:s26], $0x2800  }
0x84: {  	[sflag:s26] =	ssyncset.done $0x0  }
0x85: {  	[sflag:s26] =	ssyncadd.s32 $0xFFFFD800  }
0x86: {  	s19 =	sadd.s32 $0x1, s19;
	_ =	swait.ge [sflag:s2], $0x2800  }
0x87: {  	p0 =	sne.s32 s19, $0x5;
	[sflag:s2] =	ssyncset.done $0x0  }
.Ltmp2:
0x88: {  	[sflag:s2] =	ssyncadd.s32 $0xFFFFD800;
	(pc) =	sbr.rel @p0 .LBB2_4-.Ltmp2, $4  }
0x89: {  	[spmem:s3] =	stream.indirect.scatter.add.f32 [tilespmem:s25], [sflag:$0x3], $0x80, s9, s30, $0xb8;
	[tilespmem:$0x1B000] =	vst v63  }
0x8a: {  	_ =	swait.ge [sflag:s26], $0x2800  }
0x8b: {  	[sflag:s26] =	ssyncset.done $0x0  }
0x8c: {  	[sflag:s26] =	ssyncadd.s32 $0xFFFFD800  }
0x8d: {  	[bflag:$0x0] =	sbarrier.arrive $0xFFFF  }
0x8e: {  	[tilespmem:s25], [sflag:$0x3] =	stream.linear.gather [spmem:s7], $0x2800, $0x38;
	[tilespmem:$0x1B000] =	vst v63  }
0x8f: {  	_ =	swait.ge [sflag:s26], $0x2800  }
0x90: {  	[sflag:s26] =	ssyncset.done $0x0  }
0x91: {  	s18 =	rddreg [dreg:$0x5];
	[sflag:s26] =	ssyncadd.s32 $0xFFFFD800  }
0x92: {  	[hbm4b:s18+s4] =	stream.linear.scatter [tilespmem:s25], [sflag:$0x3], $0x2800, $0x38;
	[tilespmem:$0x1B000] =	vst v63  }
0x93: {  	_ =	swait.ge [sflag:s26], $0x2800  }
0x94: {  	[sflag:s26] =	ssyncset.done $0x0  }
0x95: {  	[sflag:s26] =	ssyncadd.s32 $0xFFFFD800  }
0x96: {  	[tilespmem:s25], [sflag:$0x3] =	stream.linear.gather [spmem:s10], $0x2800, $0x38;
	[tilespmem:$0x1B000] =	vst v63  }
0x97: {  	_ =	swait.ge [sflag:s26], $0x2800  }
0x98: {  	[sflag:s26] =	ssyncset.done $0x0  }
0x99: {  	s23 =	rddreg [dreg:$0x6];
	[sflag:s26] =	ssyncadd.s32 $0xFFFFD800  }
0x9a: {  	[hbm4b:s23+s4] =	stream.linear.scatter [tilespmem:s25], [sflag:$0x3], $0x2800, $0x38;
	[tilespmem:$0x1B000] =	vst v63  }
0x9b: {  	_ =	swait.ge [sflag:s26], $0x2800  }
0x9c: {  	[sflag:s26] =	ssyncset.done $0x0  }
0x9d: {  	[sflag:s26] =	ssyncadd.s32 $0xFFFFD800  }
0x9e: {  	[tilespmem:s25], [sflag:$0x3] =	stream.linear.gather [spmem:s11], $0x2800, $0x38;
	[tilespmem:$0x1B000] =	vst v63  }
0x9f: {  	_ =	swait.ge [sflag:s26], $0x2800  }
0xa0: {  	[sflag:s26] =	ssyncset.done $0x0  }
0xa1: {  	s24 =	rddreg [dreg:$0x7];
	[sflag:s26] =	ssyncadd.s32 $0xFFFFD800  }
0xa2: {  	[hbm4b:s24+s4] =	stream.linear.scatter [tilespmem:s25], [sflag:$0x3], $0x2800, $0x38;
	[tilespmem:$0x1B000] =	vst v63  }
0xa3: {  	_ =	swait.ge [sflag:s26], $0x2800  }
0xa4: {  	[sflag:s26] =	ssyncset.done $0x0  }
0xa5: {  	[sflag:s26] =	ssyncadd.s32 $0xFFFFD800  }
0xa6: {  	[tilespmem:s25], [sflag:$0x3] =	stream.linear.gather [spmem:s12], $0x2800, $0x38;
	[tilespmem:$0x1B000] =	vst v63  }
0xa7: {  	_ =	swait.ge [sflag:s26], $0x2800  }
0xa8: {  	[sflag:s26] =	ssyncset.done $0x0  }
0xa9: {  	s19 =	rddreg [dreg:$0x8];
	[sflag:s26] =	ssyncadd.s32 $0xFFFFD800  }
0xaa: {  	[hbm4b:s19+s4] =	stream.linear.scatter [tilespmem:s25], [sflag:$0x3], $0x2800, $0x38;
	[tilespmem:$0x1B000] =	vst v63  }
0xab: {  	_ =	swait.ge [sflag:s26], $0x2800  }
0xac: {  	[sflag:s26] =	ssyncset.done $0x0  }
0xad: {  	[sflag:s26] =	ssyncadd.s32 $0xFFFFD800  }
0xae: {  	[tilespmem:s25], [sflag:$0x3] =	stream.linear.gather [spmem:s13], $0x2800, $0x38;
	[tilespmem:$0x1B000] =	vst v63  }
0xaf: {  	_ =	swait.ge [sflag:s26], $0x2800  }
0xb0: {  	[sflag:s26] =	ssyncset.done $0x0  }
0xb1: {  	s20 =	rddreg [dreg:$0x9];
	[sflag:s26] =	ssyncadd.s32 $0xFFFFD800  }
0xb2: {  	[hbm4b:s20+s4] =	stream.linear.scatter [tilespmem:s25], [sflag:$0x3], $0x2800, $0x38;
	[tilespmem:$0x1B000] =	vst v63  }
0xb3: {  	_ =	swait.ge [sflag:s26], $0x2800  }
0xb4: {  	[sflag:s26] =	ssyncset.done $0x0  }
0xb5: {  	[sflag:s26] =	ssyncadd.s32 $0xFFFFD800  }
0xb6: {  	[tilespmem:s25], [sflag:$0x3] =	stream.linear.gather [spmem:s14], $0x2800, $0x38;
	[tilespmem:$0x1B000] =	vst v63  }
0xb7: {  	_ =	swait.ge [sflag:s26], $0x2800  }
0xb8: {  	[sflag:s26] =	ssyncset.done $0x0  }
0xb9: {  	s21 =	rddreg [dreg:$0xa];
	[sflag:s26] =	ssyncadd.s32 $0xFFFFD800  }
0xba: {  	[hbm4b:s21+s4] =	stream.linear.scatter [tilespmem:s25], [sflag:$0x3], $0x2800, $0x38;
	[tilespmem:$0x1B000] =	vst v63  }
0xbb: {  	_ =	swait.ge [sflag:s26], $0x2800  }
0xbc: {  	[sflag:s26] =	ssyncset.done $0x0  }
0xbd: {  	[sflag:s26] =	ssyncadd.s32 $0xFFFFD800  }
0xbe: {  	[tilespmem:s25], [sflag:$0x3] =	stream.linear.gather [spmem:s15], $0x2800, $0x38;
	[tilespmem:$0x1B000] =	vst v63  }
0xbf: {  	_ =	swait.ge [sflag:s26], $0x2800  }
0xc0: {  	[sflag:s26] =	ssyncset.done $0x0  }
0xc1: {  	s22 =	rddreg [dreg:$0xb];
	[sflag:s26] =	ssyncadd.s32 $0xFFFFD800  }
0xc2: {  	[hbm4b:s22+s4] =	stream.linear.scatter [tilespmem:s25], [sflag:$0x3], $0x2800, $0x38;
	[tilespmem:$0x1B000] =	vst v63  }
0xc3: {  	_ =	swait.ge [sflag:s26], $0x2800  }
0xc4: {  	[sflag:s26] =	ssyncset.done $0x0  }
0xc5: {  	[sflag:s26] =	ssyncadd.s32 $0xFFFFD800  }
0xc6: {  	[tilespmem:s25], [sflag:$0x3] =	stream.linear.gather [spmem:s16], $0x2800, $0x38;
	[tilespmem:$0x1B000] =	vst v63  }
0xc7: {  	_ =	swait.ge [sflag:s26], $0x2800  }
0xc8: {  	[sflag:s26] =	ssyncset.done $0x0  }
0xc9: {  	s23 =	rddreg [dreg:$0xc];
	[sflag:s26] =	ssyncadd.s32 $0xFFFFD800  }
0xca: {  	[hbm4b:s23+s4] =	stream.linear.scatter [tilespmem:s25], [sflag:$0x3], $0x2800, $0x38;
	[tilespmem:$0x1B000] =	vst v63  }
0xcb: {  	_ =	swait.ge [sflag:s26], $0x2800  }
0xcc: {  	s17 =	sadd.s32 $0x1, s17;
	s24 =	rddreg [dreg:$0x4]  }
0xcd: {  	p0 =	sne.s32 s17, s24  }
.Ltmp3:
0xce: {  	_ = 	snop;
	(pc) =	sbr.rel @p0 .LBB2_1-.Ltmp3, $3  }
0xcf: {  	_ =	sdelay $0x1  }
0xd0: {  	[sflag:s26] =	ssyncset.done $0x0  }
0xd1: {  	[sflag:s26] =	ssyncadd.s32 $0xFFFFD800  }
0xd2: {  	_ =	sfence.sel $0x180000  }
0xd3: {  	[bflag:$0x0] =	sbarrier.arrive $0xFFFF  }
0xd4: {  	_ =	strace $0x9000004A  }
0xd5: {  	s0 =	stileid.u32;
	[bflag:$0x2] =	sbarrier.arrive $0xFFFF  }
0xd6: {  	p0 =	sne.s32 s0, $0x0;
	s0 =	rddreg [dreg:$0x3]  }
0xd7: {  	s0 =	sadd.s32 @!p0 $0x100000, s0  }
0xd8: {  	[sflag:s0] =	ssyncadd.tile.s32 @!p0 $0x1;
	_ =	shalt  }
.Lfunc_end2:
_tile_overlayer_lowered:
.L_overlay_start_2:
0xd9: {  	(tag) =	ssettag $0x2  }
0xda: {  	s0 =	rddreg [dreg:$0x0];
	s2 =	stileid.u32  }
0xdb: {  	s1 =	rddreg [dreg:$0x1];
	p0 =	sne.s32 s2, $0x0  }
0xdc: {  	s3 =	rddreg [dreg:$0x2];
	[bflag:$0x3] =	sbarrier.arrive $0xFFFF;
	s2 =	simm.s32 @!p0 $0x1C03  }
0xdd: {  	[timem:s3], [sflag:s2] =	dma.local @!p0 [hbm:s0], s1  }
0xde: {  	s0 =	simm.s32 @!p0 $0x3  }
0xdf: {  	_ =	swait.ge @!p0 [sflag:s0], s1  }
0xe0: {  	s1 =	ssub.s32 @!p0 $0x0, s1;
	[sflag:s0] =	ssyncset.done @!p0 $0x0  }
0xe1: {  	[sflag:s0] =	ssyncadd.s32 @!p0 s1  }
0xe2: {  	[bflag:$0x3] =	sbarrier.arrive $0xFFFF  }
0xe3: {  	_ =	shalt  }

</sc_bundles>
